<compile_context>
chip_gen: v7x
topology: tpu7x:2x2x1
jax: 0.10.2.dev20260603
libtpu: 0.0.44.dev20260713+nightly
codegen_flags: <defaults>
</compile_context>

<pallas_src>
import functools

import jax
import jax.numpy as jnp
from jax import lax
from jax.experimental import pallas as pl
from jax.experimental.pallas import tpu as pltpu
from jax.experimental.pallas import tpu_sc as plsc

N_CORES = 2
N_SUB = 16


@functools.partial(jax.jit, static_argnames=("n", "e", "d", "c_chunk"))
def _spmm_sc(dst_idx, src_idx, edge_weight, z, *, n, e, d, c_chunk):
    nw = N_CORES * N_SUB
    e_per_tile = e // nw
    n_chunks = e_per_tile // c_chunk
    assert n_chunks * c_chunk == e_per_tile
    n_pad = 10240
    assert n <= n_pad and n_pad % (8 * N_SUB) == 0
    rows_per_tile = n_pad // N_SUB
    z_rows = 128
    n_zc = rows_per_tile // z_rows
    assert n_zc * z_rows == rows_per_tile
    lanes_per_row = d // 16

    mesh = plsc.VectorSubcoreMesh(
        core_axis_name="c", subcore_axis_name="s",
        num_cores=N_CORES, num_subcores=N_SUB,
    )

    @functools.partial(
        pl.kernel,
        out_type=jax.ShapeDtypeStruct((N_CORES, n_pad, d), jnp.float32),
        mesh=mesh,
        compiler_params=pltpu.CompilerParams(
            use_tc_tiling_on_sc=(d % 128 == 0)),
        scratch_types=[
            pltpu.VMEM((c_chunk,), jnp.int32),
            pltpu.VMEM((c_chunk,), jnp.int32),
            pltpu.VMEM((c_chunk,), jnp.float32),
            pltpu.VMEM((c_chunk, d), jnp.float32),
            pltpu.VMEM((z_rows, d), jnp.float32),
            pltpu.VMEM_SHARED((n_pad, d), jnp.float32),
            pltpu.SemaphoreType.DMA,
        ],
    )
    def spmm(dsti_hbm, srci_hbm, w_hbm, z_hbm, out_hbm,
             src_v, dst_v, w_v, rows_v, stage_v, acc_sh, sem):
        c = lax.axis_index("c")
        s = lax.axis_index("s")
        row0 = s * rows_per_tile

        zero16 = jnp.zeros((16,), jnp.float32)

        def zero_row(i, carry):
            for j in range(lanes_per_row):
                stage_v[i, pl.ds(j * 16, 16)] = zero16
            return carry

        lax.fori_loop(0, z_rows, zero_row, 0)

        def zero_acc(k, carry):
            pltpu.sync_copy(
                stage_v, acc_sh.at[pl.ds(row0 + k * z_rows, z_rows)])
            return carry

        lax.fori_loop(0, n_zc, zero_acc, 0)
        plsc.subcore_barrier()

        ebase = (c * N_SUB + s) * e_per_tile

        def edge_chunk(i, carry):
            b = ebase + i * c_chunk
            pltpu.sync_copy(srci_hbm.at[pl.ds(b, c_chunk)], src_v)
            pltpu.sync_copy(dsti_hbm.at[pl.ds(b, c_chunk)], dst_v)
            pltpu.sync_copy(w_hbm.at[pl.ds(b, c_chunk)], w_v)
            pltpu.async_copy(z_hbm.at[src_v], rows_v, sem).wait()

            def scale(g, carry2):
                wvec = w_v[pl.ds(g * 16, 16)]
                dn = lax.GatherDimensionNumbers(
                    offset_dims=(), collapsed_slice_dims=(0,),
                    start_index_map=(0,))
                for k in range(16):
                    wv = lax.gather(
                        wvec, jnp.full((16, 1), k, jnp.int32), dn,
                        slice_sizes=(1,),
                        mode=lax.GatherScatterMode.PROMISE_IN_BOUNDS)
                    ee = g * 16 + k
                    for j in range(lanes_per_row):
                        sl = pl.ds(j * 16, 16)
                        rows_v[ee, sl] = rows_v[ee, sl] * wv
                return carry2

            lax.fori_loop(0, c_chunk // 16, scale, 0)
            pltpu.sync_copy(rows_v, acc_sh.at[dst_v], add=True)
            return carry

        lax.fori_loop(0, n_chunks, edge_chunk, 0)
        plsc.subcore_barrier()

        def out_copy(k, carry):
            r = row0 + k * z_rows
            pltpu.sync_copy(acc_sh.at[pl.ds(r, z_rows)], stage_v)
            pltpu.sync_copy(stage_v, out_hbm.at[c, pl.ds(r, z_rows)])
            return carry

        lax.fori_loop(0, n_zc, out_copy, 0)

    return spmm(dst_idx, src_idx, edge_weight, z)


def _mm(x, wt, b, blk=1000):
    n, d_in = x.shape
    d_out = wt.shape[1]

    def kern(x_ref, wt_ref, b_ref, o_ref):
        o_ref[...] = jnp.dot(
            x_ref[...], wt_ref[...],
            preferred_element_type=jnp.float32) + b_ref[...]

    return pl.pallas_call(
        kern,
        grid=(n // blk,),
        in_specs=[
            pl.BlockSpec((blk, d_in), lambda i: (i, 0)),
            pl.BlockSpec((d_in, d_out), lambda i: (0, 0)),
            pl.BlockSpec((1, d_out), lambda i: (0, 0)),
        ],
        out_specs=pl.BlockSpec((blk, d_out), lambda i: (i, 0)),
        out_shape=jax.ShapeDtypeStruct((n, d_out), jnp.float32),
    )(x, wt, b)


def _fuse(p, h_prev, dt, wt, b, *, first, want_h, blk=1000):
    _, n, d = p.shape
    d_out = wt.shape[1]

    def kern(*refs):
        if first:
            p_ref, dt_ref, wt_ref, b_ref = refs[:4]
            outs = refs[4:]
        else:
            p_ref, h_ref, dt_ref, wt_ref, b_ref = refs[:5]
            outs = refs[5:]
        f = jnp.maximum(p_ref[0] + p_ref[1], 0.0)
        if first:
            h = f
        else:
            h = h_ref[...] + dt_ref[0, 0] * f
        z = jnp.dot(h, wt_ref[...],
                    preferred_element_type=jnp.float32) + b_ref[...]
        if want_h:
            outs[0][...] = h
            outs[1][...] = z
        else:
            outs[0][...] = z

    in_specs = [pl.BlockSpec((N_CORES, blk, d), lambda i: (0, i, 0))]
    args = [p]
    if not first:
        in_specs.append(pl.BlockSpec((blk, d), lambda i: (i, 0)))
        args.append(h_prev)
    in_specs += [
        pl.BlockSpec((1, 128), lambda i: (0, 0)),
        pl.BlockSpec((d, d_out), lambda i: (0, 0)),
        pl.BlockSpec((1, d_out), lambda i: (0, 0)),
    ]
    args += [dt, wt, b]

    z_spec = pl.BlockSpec((blk, d_out), lambda i: (i, 0))
    z_shape = jax.ShapeDtypeStruct((n, d_out), jnp.float32)
    if want_h:
        out_specs = [pl.BlockSpec((blk, d), lambda i: (i, 0)), z_spec]
        out_shape = [jax.ShapeDtypeStruct((n, d), jnp.float32), z_shape]
    else:
        out_specs = [z_spec]
        out_shape = [z_shape]

    res = pl.pallas_call(
        kern,
        grid=(n // blk,),
        in_specs=in_specs,
        out_specs=out_specs,
        out_shape=out_shape,
    )(*args)
    return res if want_h else res[0]


def _final_add(p):
    _, m, d = p.shape

    def kern(p_ref, o_ref):
        o_ref[...] = p_ref[0] + p_ref[1]

    return pl.pallas_call(
        kern,
        grid=(1,),
        in_specs=[pl.BlockSpec((N_CORES, m, d), lambda i: (0, 0, 0))],
        out_specs=pl.BlockSpec((m, d), lambda i: (0, 0)),
        out_shape=jax.ShapeDtypeStruct((m, d), jnp.float32),
    )(p)


def kernel(x, edge_index, edge_weight, W1, b1, Wm0, bm0, Wm1, bm1, W2, b2,
           time_step):
    n, d_in = x.shape
    e = edge_index.shape[1]
    d_h = W1.shape[0]
    n_cls = W2.shape[0]

    dt = jnp.full((1, 128), time_step[0], dtype=jnp.float32)
    dst_idx = edge_index[0]
    src_idx = edge_index[1]

    z1 = _mm(x, W1.T, b1.reshape(1, -1))
    p1 = _spmm_sc(dst_idx, src_idx, edge_weight, z1, n=n, e=e, d=d_h, c_chunk=80)
    h1, z2 = _fuse(p1, None, dt, Wm0.T, bm0.reshape(1, -1),
                   first=True, want_h=True)
    p2 = _spmm_sc(dst_idx, src_idx, edge_weight, z2, n=n, e=e, d=d_h, c_chunk=80)
    h2, z3 = _fuse(p2, h1, dt, Wm1.T, bm1.reshape(1, -1),
                   first=False, want_h=True)
    p3 = _spmm_sc(dst_idx, src_idx, edge_weight, z3, n=n, e=e, d=d_h, c_chunk=80)
    z4 = _fuse(p3, h2, dt, W2.T, b2.reshape(1, -1),
               first=False, want_h=False)
    p4 = _spmm_sc(dst_idx, src_idx, edge_weight, z4, n=n, e=e, d=n_cls, c_chunk=80)
    n_pad = p4.shape[1]
    out = _final_add(p4.reshape(N_CORES, (n_pad * n_cls) // 128, 128))
    return out.reshape(n_pad, n_cls)[:n]

# --- scband reference (transcript-rebuilt; emitter-appended) ---
"""Pipeline reference for scband-deep-gcn-16071767622287 (READ-ONLY COPY).

The authoritative reference and input builder live on the scoring server;
editing this copy changes nothing except your own understanding.
"""

import jax, jax.numpy as jnp
import numpy as np

N = 10000
E = 320000
D_IN = 128
D_H = 128
N_CLS = 16


def _spmm(edge_index, edge_weight, h, n):
    # torch.sparse.mm(adj, h): out[i] = sum_j adj[i, j] * h[j]
    # COO: edge_index[0] = row (i, dst), edge_index[1] = col (j, src)
    dst = edge_index[0]
    src = edge_index[1]
    gathered = h[src] * edge_weight[:, None]
    return jax.ops.segment_sum(gathered, dst, num_segments=n)


def setup_inputs(seed: int = 0) -> dict:
    key = jax.random.key(seed)
    ks = jax.random.split(key, 12)
    x = jax.random.normal(ks[0], (N, D_IN), dtype=jnp.float32)
    edge_index = jax.random.randint(ks[1], (2, E), 0, N, dtype=jnp.int32)
    edge_weight = jax.random.uniform(ks[2], (E,), dtype=jnp.float32)
    s_in = 1.0 / np.sqrt(D_IN)
    s_h = 1.0 / np.sqrt(D_H)
    W1 = jax.random.uniform(ks[3], (D_H, D_IN), jnp.float32, -s_in, s_in)
    b1 = jax.random.uniform(ks[4], (D_H,), jnp.float32, -s_in, s_in)
    Wm0 = jax.random.uniform(ks[5], (D_H, D_H), jnp.float32, -s_h, s_h)
    bm0 = jax.random.uniform(ks[6], (D_H,), jnp.float32, -s_h, s_h)
    Wm1 = jax.random.uniform(ks[7], (D_H, D_H), jnp.float32, -s_h, s_h)
    bm1 = jax.random.uniform(ks[8], (D_H,), jnp.float32, -s_h, s_h)
    W2 = jax.random.uniform(ks[9], (N_CLS, D_H), jnp.float32, -s_h, s_h)
    b2 = jax.random.uniform(ks[10], (N_CLS,), jnp.float32, -s_h, s_h)
    time_step = jnp.array([0.1], dtype=jnp.float32)
    return {
        "x": x, "edge_index": edge_index, "edge_weight": edge_weight,
        "W1": W1, "b1": b1, "Wm0": Wm0, "bm0": bm0,
        "Wm1": Wm1, "bm1": bm1, "W2": W2, "b2": b2,
        "time_step": time_step,
    }


def reference(x, edge_index, edge_weight, W1, b1, Wm0, bm0, Wm1, bm1, W2, b2, time_step):
    # eval mode: dropout=0 is identity
    h = _spmm(edge_index, edge_weight, x @ W1.T + b1, N)
    h = jax.nn.relu(h)
    for Wm, bm in ((Wm0, bm0), (Wm1, bm1)):
        f = _spmm(edge_index, edge_weight, h @ Wm.T + bm, N)
        f = jax.nn.relu(f)
        h = h + f * time_step[0]
    out = _spmm(edge_index, edge_weight, h @ W2.T + b2, N)
    return out

if __name__ == "__main__":
    import jax
    _d = setup_inputs()
    print(jax.jit(kernel)(*tuple(_d.values())))

</pallas_src>

<mosaic_0001>
#map = affine_map<(d0, d1) -> (0)>
#map1 = affine_map<(d0, d1) -> (0, 0)>
#map2 = affine_map<(d0, d1) -> (0, 0, 0)>
module attributes {stable_mosaic.version = 14 : i64} {
  func.func @spmm(%arg0: i32, %arg1: i32, %arg2: memref<320000xi32, #tpu.memory_space<hbm>>, %arg3: memref<320000xi32, #tpu.memory_space<hbm>>, %arg4: memref<320000xf32, #tpu.memory_space<hbm>>, %arg5: memref<10000x128xf32, #tpu.memory_space<hbm>>, %arg6: memref<2x10240x128xf32, #tpu.memory_space<hbm>>, %arg7: memref<80xi32, #tpu.memory_space<vmem>>, %arg8: memref<80xi32, #tpu.memory_space<vmem>>, %arg9: memref<80xf32, #tpu.memory_space<vmem>>, %arg10: memref<80x128xf32, #tpu.memory_space<vmem>>, %arg11: memref<128x128xf32, #tpu.memory_space<vmem>>, %arg12: memref<10240x128xf32, #tpu.memory_space<vmem_shared>>, %arg13: memref<!tpu.dma_semaphore, #tpu.memory_space<semaphore_mem>>) attributes {dimension_semantics = [#tpu.dimension_semantics<core_parallel>, #tpu.dimension_semantics<subcore_parallel>], iteration_bounds = array<i64: 2, 16>, scalar_prefetch = 0 : i64, scratch_operands = 7 : i64, tpu.core_type = #tpu.core_type<sc_vector_subcore>, window_params = [{transform_indices = #map}, {transform_indices = #map}, {transform_indices = #map}, {transform_indices = #map1}, {transform_indices = #map2}]} {
    %mul3A = arith.constant 640 : i32
    %mul3A_0 = arith.muli %arg1, %mul3A : i32
    %broadcast_in_dim3A = arith.constant 0.000000e+00 : f32
    %broadcast_in_dim3A_1 = vector.broadcast %broadcast_in_dim3A : f32 to vector<16xf32>
    %scan3A = arith.constant 0 : i32
    %scan3A_2 = arith.constant 0 : i32
    %scan3A_3 = arith.constant 128 : i32
    %scan3A_4 = arith.addi %scan3A_2, %scan3A_3 : i32
    %scan3A_5 = arith.constant 1 : i32
    scf.for %scan3A_30 = %scan3A_2 to %scan3A_4 step %scan3A_5  : i32 {
      %swap3A = arith.index_cast %scan3A_30 : i32 to index
      %swap3A_31 = arith.constant 0 : index
      %swap3A_32 = tpu.vector_load %arg11[%swap3A, %swap3A_31] {strides = array<i32>} : memref<128x128xf32, #tpu.memory_space<vmem>>, vector<1x16xf32>,
      %swap3A_33 = vector.shape_cast %swap3A_32 : vector<1x16xf32> to vector<16xf32>
      %swap3A_34 = vector.shape_cast %broadcast_in_dim3A_1 : vector<16xf32> to vector<1x16xf32>
      tpu.vector_store %arg11[%swap3A, %swap3A_31], %swap3A_34 {strides = array<i32>} : memref<128x128xf32, #tpu.memory_space<vmem>>, vector<1x16xf32>,
      %swap3A_35 = arith.index_cast %scan3A_30 : i32 to index
      %swap3A_36 = arith.constant 16 : index
      %swap3A_37 = tpu.vector_load %arg11[%swap3A_35, %swap3A_36] {strides = array<i32>} : memref<128x128xf32, #tpu.memory_space<vmem>>, vector<1x16xf32>,
      %swap3A_38 = vector.shape_cast %swap3A_37 : vector<1x16xf32> to vector<16xf32>
      %swap3A_39 = vector.shape_cast %broadcast_in_dim3A_1 : vector<16xf32> to vector<1x16xf32>
      tpu.vector_store %arg11[%swap3A_35, %swap3A_36], %swap3A_39 {strides = array<i32>} : memref<128x128xf32, #tpu.memory_space<vmem>>, vector<1x16xf32>,
      %swap3A_40 = arith.index_cast %scan3A_30 : i32 to index
      %swap3A_41 = arith.constant 32 : index
      %swap3A_42 = tpu.vector_load %arg11[%swap3A_40, %swap3A_41] {strides = array<i32>} : memref<128x128xf32, #tpu.memory_space<vmem>>, vector<1x16xf32>,
      %swap3A_43 = vector.shape_cast %swap3A_42 : vector<1x16xf32> to vector<16xf32>
      %swap3A_44 = vector.shape_cast %broadcast_in_dim3A_1 : vector<16xf32> to vector<1x16xf32>
      tpu.vector_store %arg11[%swap3A_40, %swap3A_41], %swap3A_44 {strides = array<i32>} : memref<128x128xf32, #tpu.memory_space<vmem>>, vector<1x16xf32>,
      %swap3A_45 = arith.index_cast %scan3A_30 : i32 to index
      %swap3A_46 = arith.constant 48 : index
      %swap3A_47 = tpu.vector_load %arg11[%swap3A_45, %swap3A_46] {strides = array<i32>} : memref<128x128xf32, #tpu.memory_space<vmem>>, vector<1x16xf32>,
      %swap3A_48 = vector.shape_cast %swap3A_47 : vector<1x16xf32> to vector<16xf32>
      %swap3A_49 = vector.shape_cast %broadcast_in_dim3A_1 : vector<16xf32> to vector<1x16xf32>
      tpu.vector_store %arg11[%swap3A_45, %swap3A_46], %swap3A_49 {strides = array<i32>} : memref<128x128xf32, #tpu.memory_space<vmem>>, vector<1x16xf32>,
      %swap3A_50 = arith.index_cast %scan3A_30 : i32 to index
      %swap3A_51 = arith.constant 64 : index
      %swap3A_52 = tpu.vector_load %arg11[%swap3A_50, %swap3A_51] {strides = array<i32>} : memref<128x128xf32, #tpu.memory_space<vmem>>, vector<1x16xf32>,
      %swap3A_53 = vector.shape_cast %swap3A_52 : vector<1x16xf32> to vector<16xf32>
      %swap3A_54 = vector.shape_cast %broadcast_in_dim3A_1 : vector<16xf32> to vector<1x16xf32>
      tpu.vector_store %arg11[%swap3A_50, %swap3A_51], %swap3A_54 {strides = array<i32>} : memref<128x128xf32, #tpu.memory_space<vmem>>, vector<1x16xf32>,
      %swap3A_55 = arith.index_cast %scan3A_30 : i32 to index
      %swap3A_56 = arith.constant 80 : index
      %swap3A_57 = tpu.vector_load %arg11[%swap3A_55, %swap3A_56] {strides = array<i32>} : memref<128x128xf32, #tpu.memory_space<vmem>>, vector<1x16xf32>,
      %swap3A_58 = vector.shape_cast %swap3A_57 : vector<1x16xf32> to vector<16xf32>
      %swap3A_59 = vector.shape_cast %broadcast_in_dim3A_1 : vector<16xf32> to vector<1x16xf32>
      tpu.vector_store %arg11[%swap3A_55, %swap3A_56], %swap3A_59 {strides = array<i32>} : memref<128x128xf32, #tpu.memory_space<vmem>>, vector<1x16xf32>,
      %swap3A_60 = arith.index_cast %scan3A_30 : i32 to index
      %swap3A_61 = arith.constant 96 : index
      %swap3A_62 = tpu.vector_load %arg11[%swap3A_60, %swap3A_61] {strides = array<i32>} : memref<128x128xf32, #tpu.memory_space<vmem>>, vector<1x16xf32>,
      %swap3A_63 = vector.shape_cast %swap3A_62 : vector<1x16xf32> to vector<16xf32>
      %swap3A_64 = vector.shape_cast %broadcast_in_dim3A_1 : vector<16xf32> to vector<1x16xf32>
      tpu.vector_store %arg11[%swap3A_60, %swap3A_61], %swap3A_64 {strides = array<i32>} : memref<128x128xf32, #tpu.memory_space<vmem>>, vector<1x16xf32>,
      %swap3A_65 = arith.index_cast %scan3A_30 : i32 to index
      %swap3A_66 = arith.constant 112 : index
      %swap3A_67 = tpu.vector_load %arg11[%swap3A_65, %swap3A_66] {strides = array<i32>} : memref<128x128xf32, #tpu.memory_space<vmem>>, vector<1x16xf32>,
      %swap3A_68 = vector.shape_cast %swap3A_67 : vector<1x16xf32> to vector<16xf32>
      %swap3A_69 = vector.shape_cast %broadcast_in_dim3A_1 : vector<16xf32> to vector<1x16xf32>
      tpu.vector_store %arg11[%swap3A_65, %swap3A_66], %swap3A_69 {strides = array<i32>} : memref<128x128xf32, #tpu.memory_space<vmem>>, vector<1x16xf32>,
    }
    %scan3A_6 = arith.constant 128 : i32
    %scan3A_7 = arith.constant 0 : i32
    %scan3A_8 = arith.constant 0 : i32
    %scan3A_9 = arith.constant 5 : i32
    %scan3A_10 = arith.addi %scan3A_8, %scan3A_9 : i32
    %scan3A_11 = arith.constant 1 : i32
    scf.for %scan3A_30 = %scan3A_8 to %scan3A_10 step %scan3A_11  : i32 {
      %mul3A_31 = arith.constant 128 : i32
      %mul3A_32 = arith.muli %scan3A_30, %mul3A_31 : i32
      %add3A_33 = arith.addi %mul3A_0, %mul3A_32 : i32
      "tpu.region"() ({
        %run_scoped3A = tpu.sem_alloc : memref<!tpu.dma_semaphore, #tpu.memory_space<semaphore_mem>>
        %dma_start3A = arith.constant 0 : i32
        %dma_start3A_34 = tpu.memref_slice %arg12[%add3A_33, %dma_start3A] : memref<10240x128xf32, #tpu.memory_space<vmem_shared>> -> memref<128x128xf32, #tpu.memory_space<vmem_shared>>
        %dma_start3A_35 = arith.constant 0 : i32
        %dma_start3A_36 = tpu.memref_slice %arg12[%add3A_33, %dma_start3A_35] : memref<10240x128xf32, #tpu.memory_space<vmem_shared>> -> memref<128x128xf32, #tpu.memory_space<vmem_shared>>
        tpu.enqueue_dma source(%arg11 : memref<128x128xf32, #tpu.memory_space<vmem>>) target(%dma_start3A_36 : memref<128x128xf32, #tpu.memory_space<vmem_shared>>) target_semaphore(%run_scoped3A : memref<!tpu.dma_semaphore, #tpu.memory_space<semaphore_mem>>)
        %dma_wait3A = arith.constant 0 : i32
        %dma_wait3A_37 = tpu.memref_slice %arg12[%add3A_33, %dma_wait3A] : memref<10240x128xf32, #tpu.memory_space<vmem_shared>> -> memref<128x128xf32, #tpu.memory_space<vmem_shared>>
        %dma_wait3A_38 = arith.constant 0 : i32
        %dma_wait3A_39 = tpu.memref_slice %arg12[%add3A_33, %dma_wait3A_38] : memref<10240x128xf32, #tpu.memory_space<vmem_shared>> -> memref<128x128xf32, #tpu.memory_space<vmem_shared>>
        tpu.wait_dma2 semaphore(%run_scoped3A : memref<!tpu.dma_semaphore, #tpu.memory_space<semaphore_mem>>) src(%arg11 : memref<128x128xf32, #tpu.memory_space<vmem>>) dst(%dma_wait3A_39 : memref<128x128xf32, #tpu.memory_space<vmem_shared>>)
        tpu.yield
      }) : () -> ()
    }
    %scan3A_12 = arith.constant 5 : i32
    %barrier3A = arith.constant 0 : index
    tpu.barrier barrier_id(%barrier3A)
    %mul3A_13 = arith.constant 16 : i32
    %mul3A_14 = arith.muli %arg0, %mul3A_13 : i32
    %add3A = arith.addi %mul3A_14, %arg1 : i32
    %mul3A_15 = arith.constant 10000 : i32
    %mul3A_16 = arith.muli %add3A, %mul3A_15 : i32
    %scan3A_17 = arith.constant 0 : i32
    %scan3A_18 = arith.constant 0 : i32
    %scan3A_19 = arith.constant 125 : i32
    %scan3A_20 = arith.addi %scan3A_18, %scan3A_19 : i32
    %scan3A_21 = arith.constant 1 : i32
    scf.for %scan3A_30 = %scan3A_18 to %scan3A_20 step %scan3A_21  : i32 {
      %mul3A_31 = arith.constant 80 : i32
      %mul3A_32 = arith.muli %scan3A_30, %mul3A_31 : i32
      %add3A_33 = arith.addi %mul3A_16, %mul3A_32 : i32
      "tpu.region"() ({
        %run_scoped3A = tpu.sem_alloc : memref<!tpu.dma_semaphore, #tpu.memory_space<semaphore_mem>>
        %dma_start3A_44 = tpu.memref_slice %arg3[%add3A_33] : memref<320000xi32, #tpu.memory_space<hbm>> -> memref<80xi32, #tpu.memory_space<hbm>>
        %dma_start3A_45 = tpu.memref_slice %arg3[%add3A_33] : memref<320000xi32, #tpu.memory_space<hbm>> -> memref<80xi32, #tpu.memory_space<hbm>>
        tpu.enqueue_dma source(%dma_start3A_45 : memref<80xi32, #tpu.memory_space<hbm>>) target(%arg7 : memref<80xi32, #tpu.memory_space<vmem>>) target_semaphore(%run_scoped3A : memref<!tpu.dma_semaphore, #tpu.memory_space<semaphore_mem>>)
        %dma_wait3A_46 = tpu.memref_slice %arg3[%add3A_33] : memref<320000xi32, #tpu.memory_space<hbm>> -> memref<80xi32, #tpu.memory_space<hbm>>
        %dma_wait3A_47 = tpu.memref_slice %arg3[%add3A_33] : memref<320000xi32, #tpu.memory_space<hbm>> -> memref<80xi32, #tpu.memory_space<hbm>>
        tpu.wait_dma2 semaphore(%run_scoped3A : memref<!tpu.dma_semaphore, #tpu.memory_space<semaphore_mem>>) src(%dma_wait3A_47 : memref<80xi32, #tpu.memory_space<hbm>>) dst(%arg7 : memref<80xi32, #tpu.memory_space<vmem>>)
        tpu.yield
      }) : () -> ()
      "tpu.region"() ({
        %run_scoped3A = tpu.sem_alloc : memref<!tpu.dma_semaphore, #tpu.memory_space<semaphore_mem>>
        %dma_start3A_44 = tpu.memref_slice %arg2[%add3A_33] : memref<320000xi32, #tpu.memory_space<hbm>> -> memref<80xi32, #tpu.memory_space<hbm>>
        %dma_start3A_45 = tpu.memref_slice %arg2[%add3A_33] : memref<320000xi32, #tpu.memory_space<hbm>> -> memref<80xi32, #tpu.memory_space<hbm>>
        tpu.enqueue_dma source(%dma_start3A_45 : memref<80xi32, #tpu.memory_space<hbm>>) target(%arg8 : memref<80xi32, #tpu.memory_space<vmem>>) target_semaphore(%run_scoped3A : memref<!tpu.dma_semaphore, #tpu.memory_space<semaphore_mem>>)
        %dma_wait3A_46 = tpu.memref_slice %arg2[%add3A_33] : memref<320000xi32, #tpu.memory_space<hbm>> -> memref<80xi32, #tpu.memory_space<hbm>>
        %dma_wait3A_47 = tpu.memref_slice %arg2[%add3A_33] : memref<320000xi32, #tpu.memory_space<hbm>> -> memref<80xi32, #tpu.memory_space<hbm>>
        tpu.wait_dma2 semaphore(%run_scoped3A : memref<!tpu.dma_semaphore, #tpu.memory_space<semaphore_mem>>) src(%dma_wait3A_47 : memref<80xi32, #tpu.memory_space<hbm>>) dst(%arg8 : memref<80xi32, #tpu.memory_space<vmem>>)
        tpu.yield
      }) : () -> ()
      "tpu.region"() ({
        %run_scoped3A = tpu.sem_alloc : memref<!tpu.dma_semaphore, #tpu.memory_space<semaphore_mem>>
        %dma_start3A_44 = tpu.memref_slice %arg4[%add3A_33] : memref<320000xf32, #tpu.memory_space<hbm>> -> memref<80xf32, #tpu.memory_space<hbm>>
        %dma_start3A_45 = tpu.memref_slice %arg4[%add3A_33] : memref<320000xf32, #tpu.memory_space<hbm>> -> memref<80xf32, #tpu.memory_space<hbm>>
        tpu.enqueue_dma source(%dma_start3A_45 : memref<80xf32, #tpu.memory_space<hbm>>) target(%arg9 : memref<80xf32, #tpu.memory_space<vmem>>) target_semaphore(%run_scoped3A : memref<!tpu.dma_semaphore, #tpu.memory_space<semaphore_mem>>)
        %dma_wait3A_46 = tpu.memref_slice %arg4[%add3A_33] : memref<320000xf32, #tpu.memory_space<hbm>> -> memref<80xf32, #tpu.memory_space<hbm>>
        %dma_wait3A_47 = tpu.memref_slice %arg4[%add3A_33] : memref<320000xf32, #tpu.memory_space<hbm>> -> memref<80xf32, #tpu.memory_space<hbm>>
        tpu.wait_dma2 semaphore(%run_scoped3A : memref<!tpu.dma_semaphore, #tpu.memory_space<semaphore_mem>>) src(%dma_wait3A_47 : memref<80xf32, #tpu.memory_space<hbm>>) dst(%arg9 : memref<80xf32, #tpu.memory_space<vmem>>)
        tpu.yield
      }) : () -> ()
      %dma_start3A = arith.constant 0 : i32
      %dma_start3A_34 = arith.constant 0 : i32
      %dma_start3A_35 = tpu.memref_slice %arg5[%dma_start3A, %dma_start3A_34] : memref<10000x128xf32, #tpu.memory_space<hbm>> -> memref<10000x128xf32, #tpu.memory_space<hbm>>
      tpu.enqueue_indirect_dma source(%dma_start3A_35 : memref<10000x128xf32, #tpu.memory_space<hbm>>) target(%arg10 : memref<80x128xf32, #tpu.memory_space<vmem>>) offsets(%arg7 : memref<80xi32, #tpu.memory_space<vmem>>) semaphore(%arg13 : memref<!tpu.dma_semaphore, #tpu.memory_space<semaphore_mem>>)
      %dma_wait3A = arith.constant 0 : i32
      %dma_wait3A_36 = arith.constant 0 : i32
      %dma_wait3A_37 = tpu.memref_slice %arg5[%dma_wait3A, %dma_wait3A_36] : memref<10000x128xf32, #tpu.memory_space<hbm>> -> memref<10000x128xf32, #tpu.memory_space<hbm>>
      tpu.wait_indirect_dma semaphore(%arg13 : memref<!tpu.dma_semaphore, #tpu.memory_space<semaphore_mem>>) src(%dma_wait3A_37 : memref<10000x128xf32, #tpu.memory_space<hbm>>) dst(%arg10 : memref<80x128xf32, #tpu.memory_space<vmem>>)
      %scan3A_38 = arith.constant 0 : i32
      %scan3A_39 = arith.constant 0 : i32
      %scan3A_40 = arith.constant 5 : i32
      %scan3A_41 = arith.addi %scan3A_39, %scan3A_40 : i32
      %scan3A_42 = arith.constant 1 : i32
      scf.for %scan3A_44 = %scan3A_39 to %scan3A_41 step %scan3A_42  : i32 {
        %mul3A_45 = arith.constant 16 : i32
        %mul3A_46 = arith.muli %scan3A_44, %mul3A_45 : i32
        %get3A = arith.index_cast %mul3A_46 : i32 to index
        %get3A_47 = tpu.vector_load %arg9[%get3A] {strides = array<i32>} : memref<80xf32, #tpu.memory_space<vmem>>, vector<16xf32>,
        %get3A_48 = vector.shape_cast %get3A_47 : vector<16xf32> to vector<16xf32>
        %broadcast_in_dim3A_49 = arith.constant 0 : i32
        %broadcast_in_dim3A_50 = vector.broadcast %broadcast_in_dim3A_49 : i32 to vector<16x1xi32>
        %gather3A = vector.shape_cast %broadcast_in_dim3A_50 : vector<16x1xi32> to vector<16xi32>
        %gather3A_51 = tpu.dynamic_gather %get3A_48[%gather3A] in [0] : vector<16xf32>, vector<16xi32> -> vector<16xf32>
        %mul3A_52 = arith.constant 16 : i32
        %mul3A_53 = arith.muli %scan3A_44, %mul3A_52 : i32
        %add3A_54 = arith.constant 0 : i32
        %add3A_55 = arith.addi %mul3A_53, %add3A_54 : i32
        %get3A_56 = arith.index_cast %add3A_55 : i32 to index
        %get3A_57 = arith.constant 0 : index
        %get3A_58 = tpu.vector_load %arg10[%get3A_56, %get3A_57] {strides = array<i32>} : memref<80x128xf32, #tpu.memory_space<vmem>>, vector<1x16xf32>,
        %get3A_59 = vector.shape_cast %get3A_58 : vector<1x16xf32> to vector<16xf32>
        %mul3A_60 = arith.mulf %get3A_59, %gather3A_51 : vector<16xf32>
        %swap3A = arith.index_cast %add3A_55 : i32 to index
        %swap3A_61 = arith.constant 0 : index
        %swap3A_62 = tpu.vector_load %arg10[%swap3A, %swap3A_61] {strides = array<i32>} : memref<80x128xf32, #tpu.memory_space<vmem>>, vector<1x16xf32>,
        %swap3A_63 = vector.shape_cast %swap3A_62 : vector<1x16xf32> to vector<16xf32>
        %swap3A_64 = vector.shape_cast %mul3A_60 : vector<16xf32> to vector<1x16xf32>
        tpu.vector_store %arg10[%swap3A, %swap3A_61], %swap3A_64 {strides = array<i32>} : memref<80x128xf32, #tpu.memory_space<vmem>>, vector<1x16xf32>,
        %get3A_65 = arith.index_cast %add3A_55 : i32 to index
        %get3A_66 = arith.constant 16 : index
        %get3A_67 = tpu.vector_load %arg10[%get3A_65, %get3A_66] {strides = array<i32>} : memref<80x128xf32, #tpu.memory_space<vmem>>, vector<1x16xf32>,
        %get3A_68 = vector.shape_cast %get3A_67 : vector<1x16xf32> to vector<16xf32>
        %mul3A_69 = arith.mulf %get3A_68, %gather3A_51 : vector<16xf32>
        %swap3A_70 = arith.index_cast %add3A_55 : i32 to index
        %swap3A_71 = arith.constant 16 : index
        %swap3A_72 = tpu.vector_load %arg10[%swap3A_70, %swap3A_71] {strides = array<i32>} : memref<80x128xf32, #tpu.memory_space<vmem>>, vector<1x16xf32>,
        %swap3A_73 = vector.shape_cast %swap3A_72 : vector<1x16xf32> to vector<16xf32>
        %swap3A_74 = vector.shape_cast %mul3A_69 : vector<16xf32> to vector<1x16xf32>
        tpu.vector_store %arg10[%swap3A_70, %swap3A_71], %swap3A_74 {strides = array<i32>} : memref<80x128xf32, #tpu.memory_space<vmem>>, vector<1x16xf32>,
        %get3A_75 = arith.index_cast %add3A_55 : i32 to index
        %get3A_76 = arith.constant 32 : index
        %get3A_77 = tpu.vector_load %arg10[%get3A_75, %get3A_76] {strides = array<i32>} : memref<80x128xf32, #tpu.memory_space<vmem>>, vector<1x16xf32>,
        %get3A_78 = vector.shape_cast %get3A_77 : vector<1x16xf32> to vector<16xf32>
        %mul3A_79 = arith.mulf %get3A_78, %gather3A_51 : vector<16xf32>
        %swap3A_80 = arith.index_cast %add3A_55 : i32 to index
        %swap3A_81 = arith.constant 32 : index
        %swap3A_82 = tpu.vector_load %arg10[%swap3A_80, %swap3A_81] {strides = array<i32>} : memref<80x128xf32, #tpu.memory_space<vmem>>, vector<1x16xf32>,
        %swap3A_83 = vector.shape_cast %swap3A_82 : vector<1x16xf32> to vector<16xf32>
        %swap3A_84 = vector.shape_cast %mul3A_79 : vector<16xf32> to vector<1x16xf32>
        tpu.vector_store %arg10[%swap3A_80, %swap3A_81], %swap3A_84 {strides = array<i32>} : memref<80x128xf32, #tpu.memory_space<vmem>>, vector<1x16xf32>,
        %get3A_85 = arith.index_cast %add3A_55 : i32 to index
        %get3A_86 = arith.constant 48 : index
        %get3A_87 = tpu.vector_load %arg10[%get3A_85, %get3A_86] {strides = array<i32>} : memref<80x128xf32, #tpu.memory_space<vmem>>, vector<1x16xf32>,
        %get3A_88 = vector.shape_cast %get3A_87 : vector<1x16xf32> to vector<16xf32>
        %mul3A_89 = arith.mulf %get3A_88, %gather3A_51 : vector<16xf32>
        %swap3A_90 = arith.index_cast %add3A_55 : i32 to index
        %swap3A_91 = arith.constant 48 : index
        %swap3A_92 = tpu.vector_load %arg10[%swap3A_90, %swap3A_91] {strides = array<i32>} : memref<80x128xf32, #tpu.memory_space<vmem>>, vector<1x16xf32>,
        %swap3A_93 = vector.shape_cast %swap3A_92 : vector<1x16xf32> to vector<16xf32>
        %swap3A_94 = vector.shape_cast %mul3A_89 : vector<16xf32> to vector<1x16xf32>
        tpu.vector_store %arg10[%swap3A_90, %swap3A_91], %swap3A_94 {strides = array<i32>} : memref<80x128xf32, #tpu.memory_space<vmem>>, vector<1x16xf32>,
        %get3A_95 = arith.index_cast %add3A_55 : i32 to index
        %get3A_96 = arith.constant 64 : index
        %get3A_97 = tpu.vector_load %arg10[%get3A_95, %get3A_96] {strides = array<i32>} : memref<80x128xf32, #tpu.memory_space<vmem>>, vector<1x16xf32>,
        %get3A_98 = vector.shape_cast %get3A_97 : vector<1x16xf32> to vector<16xf32>
        %mul3A_99 = arith.mulf %get3A_98, %gather3A_51 : vector<16xf32>
        %swap3A_100 = arith.index_cast %add3A_55 : i32 to index
        %swap3A_101 = arith.constant 64 : index
        %swap3A_102 = tpu.vector_load %arg10[%swap3A_100, %swap3A_101] {strides = array<i32>} : memref<80x128xf32, #tpu.memory_space<vmem>>, vector<1x16xf32>,
        %swap3A_103 = vector.shape_cast %swap3A_102 : vector<1x16xf32> to vector<16xf32>
        %swap3A_104 = vector.shape_cast %mul3A_99 : vector<16xf32> to vector<1x16xf32>
        tpu.vector_store %arg10[%swap3A_100, %swap3A_101], %swap3A_104 {strides = array<i32>} : memref<80x128xf32, #tpu.memory_space<vmem>>, vector<1x16xf32>,
        %get3A_105 = arith.index_cast %add3A_55 : i32 to index
        %get3A_106 = arith.constant 80 : index
        %get3A_107 = tpu.vector_load %arg10[%get3A_105, %get3A_106] {strides = array<i32>} : memref<80x128xf32, #tpu.memory_space<vmem>>, vector<1x16xf32>,
        %get3A_108 = vector.shape_cast %get3A_107 : vector<1x16xf32> to vector<16xf32>
        %mul3A_109 = arith.mulf %get3A_108, %gather3A_51 : vector<16xf32>
        %swap3A_110 = arith.index_cast %add3A_55 : i32 to index
        %swap3A_111 = arith.constant 80 : index
        %swap3A_112 = tpu.vector_load %arg10[%swap3A_110, %swap3A_111] {strides = array<i32>} : memref<80x128xf32, #tpu.memory_space<vmem>>, vector<1x16xf32>,
        %swap3A_113 = vector.shape_cast %swap3A_112 : vector<1x16xf32> to vector<16xf32>
        %swap3A_114 = vector.shape_cast %mul3A_109 : vector<16xf32> to vector<1x16xf32>
        tpu.vector_store %arg10[%swap3A_110, %swap3A_111], %swap3A_114 {strides = array<i32>} : memref<80x128xf32, #tpu.memory_space<vmem>>, vector<1x16xf32>,
        %get3A_115 = arith.index_cast %add3A_55 : i32 to index
        %get3A_116 = arith.constant 96 : index
        %get3A_117 = tpu.vector_load %arg10[%get3A_115, %get3A_116] {strides = array<i32>} : memref<80x128xf32, #tpu.memory_space<vmem>>, vector<1x16xf32>,
        %get3A_118 = vector.shape_cast %get3A_117 : vector<1x16xf32> to vector<16xf32>
        %mul3A_119 = arith.mulf %get3A_118, %gather3A_51 : vector<16xf32>
        %swap3A_120 = arith.index_cast %add3A_55 : i32 to index
        %swap3A_121 = arith.constant 96 : index
        %swap3A_122 = tpu.vector_load %arg10[%swap3A_120, %swap3A_121] {strides = array<i32>} : memref<80x128xf32, #tpu.memory_space<vmem>>, vector<1x16xf32>,
        %swap3A_123 = vector.shape_cast %swap3A_122 : vector<1x16xf32> to vector<16xf32>
        %swap3A_124 = vector.shape_cast %mul3A_119 : vector<16xf32> to vector<1x16xf32>
        tpu.vector_store %arg10[%swap3A_120, %swap3A_121], %swap3A_124 {strides = array<i32>} : memref<80x128xf32, #tpu.memory_space<vmem>>, vector<1x16xf32>,
        %get3A_125 = arith.index_cast %add3A_55 : i32 to index
        %get3A_126 = arith.constant 112 : index
        %get3A_127 = tpu.vector_load %arg10[%get3A_125, %get3A_126] {strides = array<i32>} : memref<80x128xf32, #tpu.memory_space<vmem>>, vector<1x16xf32>,
        %get3A_128 = vector.shape_cast %get3A_127 : vector<1x16xf32> to vector<16xf32>
        %mul3A_129 = arith.mulf %get3A_128, %gather3A_51 : vector<16xf32>
        %swap3A_130 = arith.index_cast %add3A_55 : i32 to index
        %swap3A_131 = arith.constant 112 : index
        %swap3A_132 = tpu.vector_load %arg10[%swap3A_130, %swap3A_131] {strides = array<i32>} : memref<80x128xf32, #tpu.memory_space<vmem>>, vector<1x16xf32>,
        %swap3A_133 = vector.shape_cast %swap3A_132 : vector<1x16xf32> to vector<16xf32>
        %swap3A_134 = vector.shape_cast %mul3A_129 : vector<16xf32> to vector<1x16xf32>
        tpu.vector_store %arg10[%swap3A_130, %swap3A_131], %swap3A_134 {strides = array<i32>} : memref<80x128xf32, #tpu.memory_space<vmem>>, vector<1x16xf32>,
        %broadcast_in_dim3A_135 = arith.constant 1 : i32
        %broadcast_in_dim3A_136 = vector.broadcast %broadcast_in_dim3A_135 : i32 to vector<16x1xi32>
        %gather3A_137 = vector.shape_cast %broadcast_in_dim3A_136 : vector<16x1xi32> to vector<16xi32>
        %gather3A_138 = tpu.dynamic_gather %get3A_48[%gather3A_137] in [0] : vector<16xf32>, vector<16xi32> -> vector<16xf32>
        %mul3A_139 = arith.constant 16 : i32
        %mul3A_140 = arith.muli %scan3A_44, %mul3A_139 : i32
        %add3A_141 = arith.constant 1 : i32
        %add3A_142 = arith.addi %mul3A_140, %add3A_141 : i32
        %get3A_143 = arith.index_cast %add3A_142 : i32 to index
        %get3A_144 = arith.constant 0 : index
        %get3A_145 = tpu.vector_load %arg10[%get3A_143, %get3A_144] {strides = array<i32>} : memref<80x128xf32, #tpu.memory_space<vmem>>, vector<1x16xf32>,
        %get3A_146 = vector.shape_cast %get3A_145 : vector<1x16xf32> to vector<16xf32>
        %mul3A_147 = arith.mulf %get3A_146, %gather3A_138 : vector<16xf32>
        %swap3A_148 = arith.index_cast %add3A_142 : i32 to index
        %swap3A_149 = arith.constant 0 : index
        %swap3A_150 = tpu.vector_load %arg10[%swap3A_148, %swap3A_149] {strides = array<i32>} : memref<80x128xf32, #tpu.memory_space<vmem>>, vector<1x16xf32>,
        %swap3A_151 = vector.shape_cast %swap3A_150 : vector<1x16xf32> to vector<16xf32>
        %swap3A_152 = vector.shape_cast %mul3A_147 : vector<16xf32> to vector<1x16xf32>
        tpu.vector_store %arg10[%swap3A_148, %swap3A_149], %swap3A_152 {strides = array<i32>} : memref<80x128xf32, #tpu.memory_space<vmem>>, vector<1x16xf32>,
        %get3A_153 = arith.index_cast %add3A_142 : i32 to index
        %get3A_154 = arith.constant 16 : index
        %get3A_155 = tpu.vector_load %arg10[%get3A_153, %get3A_154] {strides = array<i32>} : memref<80x128xf32, #tpu.memory_space<vmem>>, vector<1x16xf32>,
        %get3A_156 = vector.shape_cast %get3A_155 : vector<1x16xf32> to vector<16xf32>
        %mul3A_157 = arith.mulf %get3A_156, %gather3A_138 : vector<16xf32>
        %swap3A_158 = arith.index_cast %add3A_142 : i32 to index
        %swap3A_159 = arith.constant 16 : index
        %swap3A_160 = tpu.vector_load %arg10[%swap3A_158, %swap3A_159] {strides = array<i32>} : memref<80x128xf32, #tpu.memory_space<vmem>>, vector<1x16xf32>,
        %swap3A_161 = vector.shape_cast %swap3A_160 : vector<1x16xf32> to vector<16xf32>
        %swap3A_162 = vector.shape_cast %mul3A_157 : vector<16xf32> to vector<1x16xf32>
        tpu.vector_store %arg10[%swap3A_158, %swap3A_159], %swap3A_162 {strides = array<i32>} : memref<80x128xf32, #tpu.memory_space<vmem>>, vector<1x16xf32>,
        %get3A_163 = arith.index_cast %add3A_142 : i32 to index
        %get3A_164 = arith.constant 32 : index
        %get3A_165 = tpu.vector_load %arg10[%get3A_163, %get3A_164] {strides = array<i32>} : memref<80x128xf32, #tpu.memory_space<vmem>>, vector<1x16xf32>,
        %get3A_166 = vector.shape_cast %get3A_165 : vector<1x16xf32> to vector<16xf32>
        %mul3A_167 = arith.mulf %get3A_166, %gather3A_138 : vector<16xf32>
        %swap3A_168 = arith.index_cast %add3A_142 : i32 to index
        %swap3A_169 = arith.constant 32 : index
        %swap3A_170 = tpu.vector_load %arg10[%swap3A_168, %swap3A_169] {strides = array<i32>} : memref<80x128xf32, #tpu.memory_space<vmem>>, vector<1x16xf32>,
        %swap3A_171 = vector.shape_cast %swap3A_170 : vector<1x16xf32> to vector<16xf32>
        %swap3A_172 = vector.shape_cast %mul3A_167 : vector<16xf32> to vector<1x16xf32>
        tpu.vector_store %arg10[%swap3A_168, %swap3A_169], %swap3A_172 {strides = array<i32>} : memref<80x128xf32, #tpu.memory_space<vmem>>, vector<1x16xf32>,
        %get3A_173 = arith.index_cast %add3A_142 : i32 to index
        %get3A_174 = arith.constant 48 : index
        %get3A_175 = tpu.vector_load %arg10[%get3A_173, %get3A_174] {strides = array<i32>} : memref<80x128xf32, #tpu.memory_space<vmem>>, vector<1x16xf32>,
        %get3A_176 = vector.shape_cast %get3A_175 : vector<1x16xf32> to vector<16xf32>
        %mul3A_177 = arith.mulf %get3A_176, %gather3A_138 : vector<16xf32>
        %swap3A_178 = arith.index_cast %add3A_142 : i32 to index
        %swap3A_179 = arith.constant 48 : index
        %swap3A_180 = tpu.vector_load %arg10[%swap3A_178, %swap3A_179] {strides = array<i32>} : memref<80x128xf32, #tpu.memory_space<vmem>>, vector<1x16xf32>,
        %swap3A_181 = vector.shape_cast %swap3A_180 : vector<1x16xf32> to vector<16xf32>
        %swap3A_182 = vector.shape_cast %mul3A_177 : vector<16xf32> to vector<1x16xf32>
        tpu.vector_store %arg10[%swap3A_178, %swap3A_179], %swap3A_182 {strides = array<i32>} : memref<80x128xf32, #tpu.memory_space<vmem>>, vector<1x16xf32>,
        %get3A_183 = arith.index_cast %add3A_142 : i32 to index
        %get3A_184 = arith.constant 64 : index
        %get3A_185 = tpu.vector_load %arg10[%get3A_183, %get3A_184] {strides = array<i32>} : memref<80x128xf32, #tpu.memory_space<vmem>>, vector<1x16xf32>,
        %get3A_186 = vector.shape_cast %get3A_185 : vector<1x16xf32> to vector<16xf32>
        %mul3A_187 = arith.mulf %get3A_186, %gather3A_138 : vector<16xf32>
        %swap3A_188 = arith.index_cast %add3A_142 : i32 to index
        %swap3A_189 = arith.constant 64 : index
        %swap3A_190 = tpu.vector_load %arg10[%swap3A_188, %swap3A_189] {strides = array<i32>} : memref<80x128xf32, #tpu.memory_space<vmem>>, vector<1x16xf32>,
        %swap3A_191 = vector.shape_cast %swap3A_190 : vector<1x16xf32> to vector<16xf32>
        %swap3A_192 = vector.shape_cast %mul3A_187 : vector<16xf32> to vector<1x16xf32>
        tpu.vector_store %arg10[%swap3A_188, %swap3A_189], %swap3A_192 {strides = array<i32>} : memref<80x128xf32, #tpu.memory_space<vmem>>, vector<1x16xf32>,
        %get3A_193 = arith.index_cast %add3A_142 : i32 to index
        %get3A_194 = arith.constant 80 : index
        %get3A_195 = tpu.vector_load %arg10[%get3A_193, %get3A_194] {strides = array<i32>} : memref<80x128xf32, #tpu.memory_space<vmem>>, vector<1x16xf32>,
        %get3A_196 = vector.shape_cast %get3A_195 : vector<1x16xf32> to vector<16xf32>
        %mul3A_197 = arith.mulf %get3A_196, %gather3A_138 : vector<16xf32>
        %swap3A_198 = arith.index_cast %add3A_142 : i32 to index
        %swap3A_199 = arith.constant 80 : index
        %swap3A_200 = tpu.vector_load %arg10[%swap3A_198, %swap3A_199] {strides = array<i32>} : memref<80x128xf32, #tpu.memory_space<vmem>>, vector<1x16xf32>,
        %swap3A_201 = vector.shape_cast %swap3A_200 : vector<1x16xf32> to vector<16xf32>
        %swap3A_202 = vector.shape_cast %mul3A_197 : vector<16xf32> to vector<1x16xf32>
        tpu.vector_store %arg10[%swap3A_198, %swap3A_199], %swap3A_202 {strides = array<i32>} : memref<80x128xf32, #tpu.memory_space<vmem>>, vector<1x16xf32>,
        %get3A_203 = arith.index_cast %add3A_142 : i32 to index
        %get3A_204 = arith.constant 96 : index
        %get3A_205 = tpu.vector_load %arg10[%get3A_203, %get3A_204] {strides = array<i32>} : memref<80x128xf32, #tpu.memory_space<vmem>>, vector<1x16xf32>,
        %get3A_206 = vector.shape_cast %get3A_205 : vector<1x16xf32> to vector<16xf32>
        %mul3A_207 = arith.mulf %get3A_206, %gather3A_138 : vector<16xf32>
        %swap3A_208 = arith.index_cast %add3A_142 : i32 to index
        %swap3A_209 = arith.constant 96 : index
        %swap3A_210 = tpu.vector_load %arg10[%swap3A_208, %swap3A_209] {strides = array<i32>} : memref<80x128xf32, #tpu.memory_space<vmem>>, vector<1x16xf32>,
        %swap3A_211 = vector.shape_cast %swap3A_210 : vector<1x16xf32> to vector<16xf32>
        %swap3A_212 = vector.shape_cast %mul3A_207 : vector<16xf32> to vector<1x16xf32>
        tpu.vector_store %arg10[%swap3A_208, %swap3A_209], %swap3A_212 {strides = array<i32>} : memref<80x128xf32, #tpu.memory_space<vmem>>, vector<1x16xf32>,
        %get3A_213 = arith.index_cast %add3A_142 : i32 to index
        %get3A_214 = arith.constant 112 : index
        %get3A_215 = tpu.vector_load %arg10[%get3A_213, %get3A_214] {strides = array<i32>} : memref<80x128xf32, #tpu.memory_space<vmem>>, vector<1x16xf32>,
        %get3A_216 = vector.shape_cast %get3A_215 : vector<1x16xf32> to vector<16xf32>
        %mul3A_217 = arith.mulf %get3A_216, %gather3A_138 : vector<16xf32>
        %swap3A_218 = arith.index_cast %add3A_142 : i32 to index
        %swap3A_219 = arith.constant 112 : index
        %swap3A_220 = tpu.vector_load %arg10[%swap3A_218, %swap3A_219] {strides = array<i32>} : memref<80x128xf32, #tpu.memory_space<vmem>>, vector<1x16xf32>,
        %swap3A_221 = vector.shape_cast %swap3A_220 : vector<1x16xf32> to vector<16xf32>
        %swap3A_222 = vector.shape_cast %mul3A_217 : vector<16xf32> to vector<1x16xf32>
        tpu.vector_store %arg10[%swap3A_218, %swap3A_219], %swap3A_222 {strides = array<i32>} : memref<80x128xf32, #tpu.memory_space<vmem>>, vector<1x16xf32>,
        %broadcast_in_dim3A_223 = arith.constant 2 : i32
        %broadcast_in_dim3A_224 = vector.broadcast %broadcast_in_dim3A_223 : i32 to vector<16x1xi32>
        %gather3A_225 = vector.shape_cast %broadcast_in_dim3A_224 : vector<16x1xi32> to vector<16xi32>
        %gather3A_226 = tpu.dynamic_gather %get3A_48[%gather3A_225] in [0] : vector<16xf32>, vector<16xi32> -> vector<16xf32>
        %mul3A_227 = arith.constant 16 : i32
        %mul3A_228 = arith.muli %scan3A_44, %mul3A_227 : i32
        %add3A_229 = arith.constant 2 : i32
        %add3A_230 = arith.addi %mul3A_228, %add3A_229 : i32
        %get3A_231 = arith.index_cast %add3A_230 : i32 to index
        %get3A_232 = arith.constant 0 : index
        %get3A_233 = tpu.vector_load %arg10[%get3A_231, %get3A_232] {strides = array<i32>} : memref<80x128xf32, #tpu.memory_space<vmem>>, vector<1x16xf32>,
        %get3A_234 = vector.shape_cast %get3A_233 : vector<1x16xf32> to vector<16xf32>
        %mul3A_235 = arith.mulf %get3A_234, %gather3A_226 : vector<16xf32>
        %swap3A_236 = arith.index_cast %add3A_230 : i32 to index
        %swap3A_237 = arith.constant 0 : index
        %swap3A_238 = tpu.vector_load %arg10[%swap3A_236, %swap3A_237] {strides = array<i32>} : memref<80x128xf32, #tpu.memory_space<vmem>>, vector<1x16xf32>,
        %swap3A_239 = vector.shape_cast %swap3A_238 : vector<1x16xf32> to vector<16xf32>
        %swap3A_240 = vector.shape_cast %mul3A_235 : vector<16xf32> to vector<1x16xf32>
        tpu.vector_store %arg10[%swap3A_236, %swap3A_237], %swap3A_240 {strides = array<i32>} : memref<80x128xf32, #tpu.memory_space<vmem>>, vector<1x16xf32>,
        %get3A_241 = arith.index_cast %add3A_230 : i32 to index
        %get3A_242 = arith.constant 16 : index
        %get3A_243 = tpu.vector_load %arg10[%get3A_241, %get3A_242] {strides = array<i32>} : memref<80x128xf32, #tpu.memory_space<vmem>>, vector<1x16xf32>,
        %get3A_244 = vector.shape_cast %get3A_243 : vector<1x16xf32> to vector<16xf32>
        %mul3A_245 = arith.mulf %get3A_244, %gather3A_226 : vector<16xf32>
        %swap3A_246 = arith.index_cast %add3A_230 : i32 to index
        %swap3A_247 = arith.constant 16 : index
        %swap3A_248 = tpu.vector_load %arg10[%swap3A_246, %swap3A_247] {strides = array<i32>} : memref<80x128xf32, #tpu.memory_space<vmem>>, vector<1x16xf32>,
        %swap3A_249 = vector.shape_cast %swap3A_248 : vector<1x16xf32> to vector<16xf32>
        %swap3A_250 = vector.shape_cast %mul3A_245 : vector<16xf32> to vector<1x16xf32>
        tpu.vector_store %arg10[%swap3A_246, %swap3A_247], %swap3A_250 {strides = array<i32>} : memref<80x128xf32, #tpu.memory_space<vmem>>, vector<1x16xf32>,
        %get3A_251 = arith.index_cast %add3A_230 : i32 to index
        %get3A_252 = arith.constant 32 : index
        %get3A_253 = tpu.vector_load %arg10[%get3A_251, %get3A_252] {strides = array<i32>} : memref<80x128xf32, #tpu.memory_space<vmem>>, vector<1x16xf32>,
        %get3A_254 = vector.shape_cast %get3A_253 : vector<1x16xf32> to vector<16xf32>
        %mul3A_255 = arith.mulf %get3A_254, %gather3A_226 : vector<16xf32>
        %swap3A_256 = arith.index_cast %add3A_230 : i32 to index
        %swap3A_257 = arith.constant 32 : index
        %swap3A_258 = tpu.vector_load %arg10[%swap3A_256, %swap3A_257] {strides = array<i32>} : memref<80x128xf32, #tpu.memory_space<vmem>>, vector<1x16xf32>,
        %swap3A_259 = vector.shape_cast %swap3A_258 : vector<1x16xf32> to vector<16xf32>
        %swap3A_260 = vector.shape_cast %mul3A_255 : vector<16xf32> to vector<1x16xf32>
        tpu.vector_store %arg10[%swap3A_256, %swap3A_257], %swap3A_260 {strides = array<i32>} : memref<80x128xf32, #tpu.memory_space<vmem>>, vector<1x16xf32>,
        %get3A_261 = arith.index_cast %add3A_230 : i32 to index
        %get3A_262 = arith.constant 48 : index
        %get3A_263 = tpu.vector_load %arg10[%get3A_261, %get3A_262] {strides = array<i32>} : memref<80x128xf32, #tpu.memory_space<vmem>>, vector<1x16xf32>,
        %get3A_264 = vector.shape_cast %get3A_263 : vector<1x16xf32> to vector<16xf32>
        %mul3A_265 = arith.mulf %get3A_264, %gather3A_226 : vector<16xf32>
        %swap3A_266 = arith.index_cast %add3A_230 : i32 to index
        %swap3A_267 = arith.constant 48 : index
        %swap3A_268 = tpu.vector_load %arg10[%swap3A_266, %swap3A_267] {strides = array<i32>} : memref<80x128xf32, #tpu.memory_space<vmem>>, vector<1x16xf32>,
        %swap3A_269 = vector.shape_cast %swap3A_268 : vector<1x16xf32> to vector<16xf32>
        %swap3A_270 = vector.shape_cast %mul3A_265 : vector<16xf32> to vector<1x16xf32>
        tpu.vector_store %arg10[%swap3A_266, %swap3A_267], %swap3A_270 {strides = array<i32>} : memref<80x128xf32, #tpu.memory_space<vmem>>, vector<1x16xf32>,
        %get3A_271 = arith.index_cast %add3A_230 : i32 to index
        %get3A_272 = arith.constant 64 : index
        %get3A_273 = tpu.vector_load %arg10[%get3A_271, %get3A_272] {strides = array<i32>} : memref<80x128xf32, #tpu.memory_space<vmem>>, vector<1x16xf32>,
        %get3A_274 = vector.shape_cast %get3A_273 : vector<1x16xf32> to vector<16xf32>
        %mul3A_275 = arith.mulf %get3A_274, %gather3A_226 : vector<16xf32>
        %swap3A_276 = arith.index_cast %add3A_230 : i32 to index
        %swap3A_277 = arith.constant 64 : index
        %swap3A_278 = tpu.vector_load %arg10[%swap3A_276, %swap3A_277] {strides = array<i32>} : memref<80x128xf32, #tpu.memory_space<vmem>>, vector<1x16xf32>,
        %swap3A_279 = vector.shape_cast %swap3A_278 : vector<1x16xf32> to vector<16xf32>
        %swap3A_280 = vector.shape_cast %mul3A_275 : vector<16xf32> to vector<1x16xf32>
        tpu.vector_store %arg10[%swap3A_276, %swap3A_277], %swap3A_280 {strides = array<i32>} : memref<80x128xf32, #tpu.memory_space<vmem>>, vector<1x16xf32>,
        %get3A_281 = arith.index_cast %add3A_230 : i32 to index
        %get3A_282 = arith.constant 80 : index
        %get3A_283 = tpu.vector_load %arg10[%get3A_281, %get3A_282] {strides = array<i32>} : memref<80x128xf32, #tpu.memory_space<vmem>>, vector<1x16xf32>,
        %get3A_284 = vector.shape_cast %get3A_283 : vector<1x16xf32> to vector<16xf32>
        %mul3A_285 = arith.mulf %get3A_284, %gather3A_226 : vector<16xf32>
        %swap3A_286 = arith.index_cast %add3A_230 : i32 to index
        %swap3A_287 = arith.constant 80 : index
        %swap3A_288 = tpu.vector_load %arg10[%swap3A_286, %swap3A_287] {strides = array<i32>} : memref<80x128xf32, #tpu.memory_space<vmem>>, vector<1x16xf32>,
        %swap3A_289 = vector.shape_cast %swap3A_288 : vector<1x16xf32> to vector<16xf32>
        %swap3A_290 = vector.shape_cast %mul3A_285 : vector<16xf32> to vector<1x16xf32>
        tpu.vector_store %arg10[%swap3A_286, %swap3A_287], %swap3A_290 {strides = array<i32>} : memref<80x128xf32, #tpu.memory_space<vmem>>, vector<1x16xf32>,
        %get3A_291 = arith.index_cast %add3A_230 : i32 to index
        %get3A_292 = arith.constant 96 : index
        %get3A_293 = tpu.vector_load %arg10[%get3A_291, %get3A_292] {strides = array<i32>} : memref<80x128xf32, #tpu.memory_space<vmem>>, vector<1x16xf32>,
        %get3A_294 = vector.shape_cast %get3A_293 : vector<1x16xf32> to vector<16xf32>
        %mul3A_295 = arith.mulf %get3A_294, %gather3A_226 : vector<16xf32>
        %swap3A_296 = arith.index_cast %add3A_230 : i32 to index
        %swap3A_297 = arith.constant 96 : index
        %swap3A_298 = tpu.vector_load %arg10[%swap3A_296, %swap3A_297] {strides = array<i32>} : memref<80x128xf32, #tpu.memory_space<vmem>>, vector<1x16xf32>,
        %swap3A_299 = vector.shape_cast %swap3A_298 : vector<1x16xf32> to vector<16xf32>
        %swap3A_300 = vector.shape_cast %mul3A_295 : vector<16xf32> to vector<1x16xf32>
        tpu.vector_store %arg10[%swap3A_296, %swap3A_297], %swap3A_300 {strides = array<i32>} : memref<80x128xf32, #tpu.memory_space<vmem>>, vector<1x16xf32>,
        %get3A_301 = arith.index_cast %add3A_230 : i32 to index
        %get3A_302 = arith.constant 112 : index
        %get3A_303 = tpu.vector_load %arg10[%get3A_301, %get3A_302] {strides = array<i32>} : memref<80x128xf32, #tpu.memory_space<vmem>>, vector<1x16xf32>,
        %get3A_304 = vector.shape_cast %get3A_303 : vector<1x16xf32> to vector<16xf32>
        %mul3A_305 = arith.mulf %get3A_304, %gather3A_226 : vector<16xf32>
        %swap3A_306 = arith.index_cast %add3A_230 : i32 to index
        %swap3A_307 = arith.constant 112 : index
        %swap3A_308 = tpu.vector_load %arg10[%swap3A_306, %swap3A_307] {strides = array<i32>} : memref<80x128xf32, #tpu.memory_space<vmem>>, vector<1x16xf32>,
        %swap3A_309 = vector.shape_cast %swap3A_308 : vector<1x16xf32> to vector<16xf32>
        %swap3A_310 = vector.shape_cast %mul3A_305 : vector<16xf32> to vector<1x16xf32>
        tpu.vector_store %arg10[%swap3A_306, %swap3A_307], %swap3A_310 {strides = array<i32>} : memref<80x128xf32, #tpu.memory_space<vmem>>, vector<1x16xf32>,
        %broadcast_in_dim3A_311 = arith.constant 3 : i32
        %broadcast_in_dim3A_312 = vector.broadcast %broadcast_in_dim3A_311 : i32 to vector<16x1xi32>
        %gather3A_313 = vector.shape_cast %broadcast_in_dim3A_312 : vector<16x1xi32> to vector<16xi32>
        %gather3A_314 = tpu.dynamic_gather %get3A_48[%gather3A_313] in [0] : vector<16xf32>, vector<16xi32> -> vector<16xf32>
        %mul3A_315 = arith.constant 16 : i32
        %mul3A_316 = arith.muli %scan3A_44, %mul3A_315 : i32
        %add3A_317 = arith.constant 3 : i32
        %add3A_318 = arith.addi %mul3A_316, %add3A_317 : i32
        %get3A_319 = arith.index_cast %add3A_318 : i32 to index
        %get3A_320 = arith.constant 0 : index
        %get3A_321 = tpu.vector_load %arg10[%get3A_319, %get3A_320] {strides = array<i32>} : memref<80x128xf32, #tpu.memory_space<vmem>>, vector<1x16xf32>,
        %get3A_322 = vector.shape_cast %get3A_321 : vector<1x16xf32> to vector<16xf32>
        %mul3A_323 = arith.mulf %get3A_322, %gather3A_314 : vector<16xf32>
        %swap3A_324 = arith.index_cast %add3A_318 : i32 to index
        %swap3A_325 = arith.constant 0 : index
        %swap3A_326 = tpu.vector_load %arg10[%swap3A_324, %swap3A_325] {strides = array<i32>} : memref<80x128xf32, #tpu.memory_space<vmem>>, vector<1x16xf32>,
        %swap3A_327 = vector.shape_cast %swap3A_326 : vector<1x16xf32> to vector<16xf32>
        %swap3A_328 = vector.shape_cast %mul3A_323 : vector<16xf32> to vector<1x16xf32>
        tpu.vector_store %arg10[%swap3A_324, %swap3A_325], %swap3A_328 {strides = array<i32>} : memref<80x128xf32, #tpu.memory_space<vmem>>, vector<1x16xf32>,
        %get3A_329 = arith.index_cast %add3A_318 : i32 to index
        %get3A_330 = arith.constant 16 : index
        %get3A_331 = tpu.vector_load %arg10[%get3A_329, %get3A_330] {strides = array<i32>} : memref<80x128xf32, #tpu.memory_space<vmem>>, vector<1x16xf32>,
        %get3A_332 = vector.shape_cast %get3A_331 : vector<1x16xf32> to vector<16xf32>
        %mul3A_333 = arith.mulf %get3A_332, %gather3A_314 : vector<16xf32>
        %swap3A_334 = arith.index_cast %add3A_318 : i32 to index
        %swap3A_335 = arith.constant 16 : index
        %swap3A_336 = tpu.vector_load %arg10[%swap3A_334, %swap3A_335] {strides = array<i32>} : memref<80x128xf32, #tpu.memory_space<vmem>>, vector<1x16xf32>,
        %swap3A_337 = vector.shape_cast %swap3A_336 : vector<1x16xf32> to vector<16xf32>
        %swap3A_338 = vector.shape_cast %mul3A_333 : vector<16xf32> to vector<1x16xf32>
        tpu.vector_store %arg10[%swap3A_334, %swap3A_335], %swap3A_338 {strides = array<i32>} : memref<80x128xf32, #tpu.memory_space<vmem>>, vector<1x16xf32>,
        %get3A_339 = arith.index_cast %add3A_318 : i32 to index
        %get3A_340 = arith.constant 32 : index
        %get3A_341 = tpu.vector_load %arg10[%get3A_339, %get3A_340] {strides = array<i32>} : memref<80x128xf32, #tpu.memory_space<vmem>>, vector<1x16xf32>,
        %get3A_342 = vector.shape_cast %get3A_341 : vector<1x16xf32> to vector<16xf32>
        %mul3A_343 = arith.mulf %get3A_342, %gather3A_314 : vector<16xf32>
        %swap3A_344 = arith.index_cast %add3A_318 : i32 to index
        %swap3A_345 = arith.constant 32 : index
        %swap3A_346 = tpu.vector_load %arg10[%swap3A_344, %swap3A_345] {strides = array<i32>} : memref<80x128xf32, #tpu.memory_space<vmem>>, vector<1x16xf32>,
        %swap3A_347 = vector.shape_cast %swap3A_346 : vector<1x16xf32> to vector<16xf32>
        %swap3A_348 = vector.shape_cast %mul3A_343 : vector<16xf32> to vector<1x16xf32>
        tpu.vector_store %arg10[%swap3A_344, %swap3A_345], %swap3A_348 {strides = array<i32>} : memref<80x128xf32, #tpu.memory_space<vmem>>, vector<1x16xf32>,
        %get3A_349 = arith.index_cast %add3A_318 : i32 to index
        %get3A_350 = arith.constant 48 : index
        %get3A_351 = tpu.vector_load %arg10[%get3A_349, %get3A_350] {strides = array<i32>} : memref<80x128xf32, #tpu.memory_space<vmem>>, vector<1x16xf32>,
        %get3A_352 = vector.shape_cast %get3A_351 : vector<1x16xf32> to vector<16xf32>
        %mul3A_353 = arith.mulf %get3A_352, %gather3A_314 : vector<16xf32>
        %swap3A_354 = arith.index_cast %add3A_318 : i32 to index
        %swap3A_355 = arith.constant 48 : index
        %swap3A_356 = tpu.vector_load %arg10[%swap3A_354, %swap3A_355] {strides = array<i32>} : memref<80x128xf32, #tpu.memory_space<vmem>>, vector<1x16xf32>,
        %swap3A_357 = vector.shape_cast %swap3A_356 : vector<1x16xf32> to vector<16xf32>
        %swap3A_358 = vector.shape_cast %mul3A_353 : vector<16xf32> to vector<1x16xf32>
        tpu.vector_store %arg10[%swap3A_354, %swap3A_355], %swap3A_358 {strides = array<i32>} : memref<80x128xf32, #tpu.memory_space<vmem>>, vector<1x16xf32>,
        %get3A_359 = arith.index_cast %add3A_318 : i32 to index
        %get3A_360 = arith.constant 64 : index
        %get3A_361 = tpu.vector_load %arg10[%get3A_359, %get3A_360] {strides = array<i32>} : memref<80x128xf32, #tpu.memory_space<vmem>>, vector<1x16xf32>,
        %get3A_362 = vector.shape_cast %get3A_361 : vector<1x16xf32> to vector<16xf32>
        %mul3A_363 = arith.mulf %get3A_362, %gather3A_314 : vector<16xf32>
        %swap3A_364 = arith.index_cast %add3A_318 : i32 to index
        %swap3A_365 = arith.constant 64 : index
        %swap3A_366 = tpu.vector_load %arg10[%swap3A_364, %swap3A_365] {strides = array<i32>} : memref<80x128xf32, #tpu.memory_space<vmem>>, vector<1x16xf32>,
        %swap3A_367 = vector.shape_cast %swap3A_366 : vector<1x16xf32> to vector<16xf32>
        %swap3A_368 = vector.shape_cast %mul3A_363 : vector<16xf32> to vector<1x16xf32>
        tpu.vector_store %arg10[%swap3A_364, %swap3A_365], %swap3A_368 {strides = array<i32>} : memref<80x128xf32, #tpu.memory_space<vmem>>, vector<1x16xf32>,
        %get3A_369 = arith.index_cast %add3A_318 : i32 to index
        %get3A_370 = arith.constant 80 : index
        %get3A_371 = tpu.vector_load %arg10[%get3A_369, %get3A_370] {strides = array<i32>} : memref<80x128xf32, #tpu.memory_space<vmem>>, vector<1x16xf32>,
        %get3A_372 = vector.shape_cast %get3A_371 : vector<1x16xf32> to vector<16xf32>
        %mul3A_373 = arith.mulf %get3A_372, %gather3A_314 : vector<16xf32>
        %swap3A_374 = arith.index_cast %add3A_318 : i32 to index
        %swap3A_375 = arith.constant 80 : index
        %swap3A_376 = tpu.vector_load %arg10[%swap3A_374, %swap3A_375] {strides = array<i32>} : memref<80x128xf32, #tpu.memory_space<vmem>>, vector<1x16xf32>,
        %swap3A_377 = vector.shape_cast %swap3A_376 : vector<1x16xf32> to vector<16xf32>
        %swap3A_378 = vector.shape_cast %mul3A_373 : vector<16xf32> to vector<1x16xf32>
        tpu.vector_store %arg10[%swap3A_374, %swap3A_375], %swap3A_378 {strides = array<i32>} : memref<80x128xf32, #tpu.memory_space<vmem>>, vector<1x16xf32>,
        %get3A_379 = arith.index_cast %add3A_318 : i32 to index
        %get3A_380 = arith.constant 96 : index
        %get3A_381 = tpu.vector_load %arg10[%get3A_379, %get3A_380] {strides = array<i32>} : memref<80x128xf32, #tpu.memory_space<vmem>>, vector<1x16xf32>,
        %get3A_382 = vector.shape_cast %get3A_381 : vector<1x16xf32> to vector<16xf32>
        %mul3A_383 = arith.mulf %get3A_382, %gather3A_314 : vector<16xf32>
        %swap3A_384 = arith.index_cast %add3A_318 : i32 to index
        %swap3A_385 = arith.constant 96 : index
        %swap3A_386 = tpu.vector_load %arg10[%swap3A_384, %swap3A_385] {strides = array<i32>} : memref<80x128xf32, #tpu.memory_space<vmem>>, vector<1x16xf32>,
        %swap3A_387 = vector.shape_cast %swap3A_386 : vector<1x16xf32> to vector<16xf32>
        %swap3A_388 = vector.shape_cast %mul3A_383 : vector<16xf32> to vector<1x16xf32>
        tpu.vector_store %arg10[%swap3A_384, %swap3A_385], %swap3A_388 {strides = array<i32>} : memref<80x128xf32, #tpu.memory_space<vmem>>, vector<1x16xf32>,
        %get3A_389 = arith.index_cast %add3A_318 : i32 to index
        %get3A_390 = arith.constant 112 : index
        %get3A_391 = tpu.vector_load %arg10[%get3A_389, %get3A_390] {strides = array<i32>} : memref<80x128xf32, #tpu.memory_space<vmem>>, vector<1x16xf32>,
        %get3A_392 = vector.shape_cast %get3A_391 : vector<1x16xf32> to vector<16xf32>
        %mul3A_393 = arith.mulf %get3A_392, %gather3A_314 : vector<16xf32>
        %swap3A_394 = arith.index_cast %add3A_318 : i32 to index
        %swap3A_395 = arith.constant 112 : index
        %swap3A_396 = tpu.vector_load %arg10[%swap3A_394, %swap3A_395] {strides = array<i32>} : memref<80x128xf32, #tpu.memory_space<vmem>>, vector<1x16xf32>,
        %swap3A_397 = vector.shape_cast %swap3A_396 : vector<1x16xf32> to vector<16xf32>
        %swap3A_398 = vector.shape_cast %mul3A_393 : vector<16xf32> to vector<1x16xf32>
        tpu.vector_store %arg10[%swap3A_394, %swap3A_395], %swap3A_398 {strides = array<i32>} : memref<80x128xf32, #tpu.memory_space<vmem>>, vector<1x16xf32>,
        %broadcast_in_dim3A_399 = arith.constant 4 : i32
        %broadcast_in_dim3A_400 = vector.broadcast %broadcast_in_dim3A_399 : i32 to vector<16x1xi32>
        %gather3A_401 = vector.shape_cast %broadcast_in_dim3A_400 : vector<16x1xi32> to vector<16xi32>
        %gather3A_402 = tpu.dynamic_gather %get3A_48[%gather3A_401] in [0] : vector<16xf32>, vector<16xi32> -> vector<16xf32>
        %mul3A_403 = arith.constant 16 : i32
        %mul3A_404 = arith.muli %scan3A_44, %mul3A_403 : i32
        %add3A_405 = arith.constant 4 : i32
        %add3A_406 = arith.addi %mul3A_404, %add3A_405 : i32
        %get3A_407 = arith.index_cast %add3A_406 : i32 to index
        %get3A_408 = arith.constant 0 : index
        %get3A_409 = tpu.vector_load %arg10[%get3A_407, %get3A_408] {strides = array<i32>} : memref<80x128xf32, #tpu.memory_space<vmem>>, vector<1x16xf32>,
        %get3A_410 = vector.shape_cast %get3A_409 : vector<1x16xf32> to vector<16xf32>
        %mul3A_411 = arith.mulf %get3A_410, %gather3A_402 : vector<16xf32>
        %swap3A_412 = arith.index_cast %add3A_406 : i32 to index
        %swap3A_413 = arith.constant 0 : index
        %swap3A_414 = tpu.vector_load %arg10[%swap3A_412, %swap3A_413] {strides = array<i32>} : memref<80x128xf32, #tpu.memory_space<vmem>>, vector<1x16xf32>,
        %swap3A_415 = vector.shape_cast %swap3A_414 : vector<1x16xf32> to vector<16xf32>
        %swap3A_416 = vector.shape_cast %mul3A_411 : vector<16xf32> to vector<1x16xf32>
        tpu.vector_store %arg10[%swap3A_412, %swap3A_413], %swap3A_416 {strides = array<i32>} : memref<80x128xf32, #tpu.memory_space<vmem>>, vector<1x16xf32>,
        %get3A_417 = arith.index_cast %add3A_406 : i32 to index
        %get3A_418 = arith.constant 16 : index
        %get3A_419 = tpu.vector_load %arg10[%get3A_417, %get3A_418] {strides = array<i32>} : memref<80x128xf32, #tpu.memory_space<vmem>>, vector<1x16xf32>,
        %get3A_420 = vector.shape_cast %get3A_419 : vector<1x16xf32> to vector<16xf32>
        %mul3A_421 = arith.mulf %get3A_420, %gather3A_402 : vector<16xf32>
        %swap3A_422 = arith.index_cast %add3A_406 : i32 to index
        %swap3A_423 = arith.constant 16 : index
        %swap3A_424 = tpu.vector_load %arg10[%swap3A_422, %swap3A_423] {strides = array<i32>} : memref<80x128xf32, #tpu.memory_space<vmem>>, vector<1x16xf32>,
        %swap3A_425 = vector.shape_cast %swap3A_424 : vector<1x16xf32> to vector<16xf32>
        %swap3A_426 = vector.shape_cast %mul3A_421 : vector<16xf32> to vector<1x16xf32>
        tpu.vector_store %arg10[%swap3A_422, %swap3A_423], %swap3A_426 {strides = array<i32>} : memref<80x128xf32, #tpu.memory_space<vmem>>, vector<1x16xf32>,
        %get3A_427 = arith.index_cast %add3A_406 : i32 to index
        %get3A_428 = arith.constant 32 : index
        %get3A_429 = tpu.vector_load %arg10[%get3A_427, %get3A_428] {strides = array<i32>} : memref<80x128xf32, #tpu.memory_space<vmem>>, vector<1x16xf32>,
        %get3A_430 = vector.shape_cast %get3A_429 : vector<1x16xf32> to vector<16xf32>
        %mul3A_431 = arith.mulf %get3A_430, %gather3A_402 : vector<16xf32>
        %swap3A_432 = arith.index_cast %add3A_406 : i32 to index
        %swap3A_433 = arith.constant 32 : index
        %swap3A_434 = tpu.vector_load %arg10[%swap3A_432, %swap3A_433] {strides = array<i32>} : memref<80x128xf32, #tpu.memory_space<vmem>>, vector<1x16xf32>,
        %swap3A_435 = vector.shape_cast %swap3A_434 : vector<1x16xf32> to vector<16xf32>
        %swap3A_436 = vector.shape_cast %mul3A_431 : vector<16xf32> to vector<1x16xf32>
        tpu.vector_store %arg10[%swap3A_432, %swap3A_433], %swap3A_436 {strides = array<i32>} : memref<80x128xf32, #tpu.memory_space<vmem>>, vector<1x16xf32>,
        %get3A_437 = arith.index_cast %add3A_406 : i32 to index
        %get3A_438 = arith.constant 48 : index
        %get3A_439 = tpu.vector_load %arg10[%get3A_437, %get3A_438] {strides = array<i32>} : memref<80x128xf32, #tpu.memory_space<vmem>>, vector<1x16xf32>,
        %get3A_440 = vector.shape_cast %get3A_439 : vector<1x16xf32> to vector<16xf32>
        %mul3A_441 = arith.mulf %get3A_440, %gather3A_402 : vector<16xf32>
        %swap3A_442 = arith.index_cast %add3A_406 : i32 to index
        %swap3A_443 = arith.constant 48 : index
        %swap3A_444 = tpu.vector_load %arg10[%swap3A_442, %swap3A_443] {strides = array<i32>} : memref<80x128xf32, #tpu.memory_space<vmem>>, vector<1x16xf32>,
        %swap3A_445 = vector.shape_cast %swap3A_444 : vector<1x16xf32> to vector<16xf32>
        %swap3A_446 = vector.shape_cast %mul3A_441 : vector<16xf32> to vector<1x16xf32>
        tpu.vector_store %arg10[%swap3A_442, %swap3A_443], %swap3A_446 {strides = array<i32>} : memref<80x128xf32, #tpu.memory_space<vmem>>, vector<1x16xf32>,
        %get3A_447 = arith.index_cast %add3A_406 : i32 to index
        %get3A_448 = arith.constant 64 : index
        %get3A_449 = tpu.vector_load %arg10[%get3A_447, %get3A_448] {strides = array<i32>} : memref<80x128xf32, #tpu.memory_space<vmem>>, vector<1x16xf32>,
        %get3A_450 = vector.shape_cast %get3A_449 : vector<1x16xf32> to vector<16xf32>
        %mul3A_451 = arith.mulf %get3A_450, %gather3A_402 : vector<16xf32>
        %swap3A_452 = arith.index_cast %add3A_406 : i32 to index
        %swap3A_453 = arith.constant 64 : index
        %swap3A_454 = tpu.vector_load %arg10[%swap3A_452, %swap3A_453] {strides = array<i32>} : memref<80x128xf32, #tpu.memory_space<vmem>>, vector<1x16xf32>,
        %swap3A_455 = vector.shape_cast %swap3A_454 : vector<1x16xf32> to vector<16xf32>
        %swap3A_456 = vector.shape_cast %mul3A_451 : vector<16xf32> to vector<1x16xf32>
        tpu.vector_store %arg10[%swap3A_452, %swap3A_453], %swap3A_456 {strides = array<i32>} : memref<80x128xf32, #tpu.memory_space<vmem>>, vector<1x16xf32>,
        %get3A_457 = arith.index_cast %add3A_406 : i32 to index
        %get3A_458 = arith.constant 80 : index
        %get3A_459 = tpu.vector_load %arg10[%get3A_457, %get3A_458] {strides = array<i32>} : memref<80x128xf32, #tpu.memory_space<vmem>>, vector<1x16xf32>,
        %get3A_460 = vector.shape_cast %get3A_459 : vector<1x16xf32> to vector<16xf32>
        %mul3A_461 = arith.mulf %get3A_460, %gather3A_402 : vector<16xf32>
        %swap3A_462 = arith.index_cast %add3A_406 : i32 to index
        %swap3A_463 = arith.constant 80 : index
        %swap3A_464 = tpu.vector_load %arg10[%swap3A_462, %swap3A_463] {strides = array<i32>} : memref<80x128xf32, #tpu.memory_space<vmem>>, vector<1x16xf32>,
        %swap3A_465 = vector.shape_cast %swap3A_464 : vector<1x16xf32> to vector<16xf32>
        %swap3A_466 = vector.shape_cast %mul3A_461 : vector<16xf32> to vector<1x16xf32>
        tpu.vector_store %arg10[%swap3A_462, %swap3A_463], %swap3A_466 {strides = array<i32>} : memref<80x128xf32, #tpu.memory_space<vmem>>, vector<1x16xf32>,
        %get3A_467 = arith.index_cast %add3A_406 : i32 to index
        %get3A_468 = arith.constant 96 : index
        %get3A_469 = tpu.vector_load %arg10[%get3A_467, %get3A_468] {strides = array<i32>} : memref<80x128xf32, #tpu.memory_space<vmem>>, vector<1x16xf32>,
        %get3A_470 = vector.shape_cast %get3A_469 : vector<1x16xf32> to vector<16xf32>
        %mul3A_471 = arith.mulf %get3A_470, %gather3A_402 : vector<16xf32>
        %swap3A_472 = arith.index_cast %add3A_406 : i32 to index
        %swap3A_473 = arith.constant 96 : index
        %swap3A_474 = tpu.vector_load %arg10[%swap3A_472, %swap3A_473] {strides = array<i32>} : memref<80x128xf32, #tpu.memory_space<vmem>>, vector<1x16xf32>,
        %swap3A_475 = vector.shape_cast %swap3A_474 : vector<1x16xf32> to vector<16xf32>
        %swap3A_476 = vector.shape_cast %mul3A_471 : vector<16xf32> to vector<1x16xf32>
        tpu.vector_store %arg10[%swap3A_472, %swap3A_473], %swap3A_476 {strides = array<i32>} : memref<80x128xf32, #tpu.memory_space<vmem>>, vector<1x16xf32>,
        %get3A_477 = arith.index_cast %add3A_406 : i32 to index
        %get3A_478 = arith.constant 112 : index
        %get3A_479 = tpu.vector_load %arg10[%get3A_477, %get3A_478] {strides = array<i32>} : memref<80x128xf32, #tpu.memory_space<vmem>>, vector<1x16xf32>,
        %get3A_480 = vector.shape_cast %get3A_479 : vector<1x16xf32> to vector<16xf32>
        %mul3A_481 = arith.mulf %get3A_480, %gather3A_402 : vector<16xf32>
        %swap3A_482 = arith.index_cast %add3A_406 : i32 to index
        %swap3A_483 = arith.constant 112 : index
        %swap3A_484 = tpu.vector_load %arg10[%swap3A_482, %swap3A_483] {strides = array<i32>} : memref<80x128xf32, #tpu.memory_space<vmem>>, vector<1x16xf32>,
        %swap3A_485 = vector.shape_cast %swap3A_484 : vector<1x16xf32> to vector<16xf32>
        %swap3A_486 = vector.shape_cast %mul3A_481 : vector<16xf32> to vector<1x16xf32>
        tpu.vector_store %arg10[%swap3A_482, %swap3A_483], %swap3A_486 {strides = array<i32>} : memref<80x128xf32, #tpu.memory_space<vmem>>, vector<1x16xf32>,
        %broadcast_in_dim3A_487 = arith.constant 5 : i32
        %broadcast_in_dim3A_488 = vector.broadcast %broadcast_in_dim3A_487 : i32 to vector<16x1xi32>
        %gather3A_489 = vector.shape_cast %broadcast_in_dim3A_488 : vector<16x1xi32> to vector<16xi32>
        %gather3A_490 = tpu.dynamic_gather %get3A_48[%gather3A_489] in [0] : vector<16xf32>, vector<16xi32> -> vector<16xf32>
        %mul3A_491 = arith.constant 16 : i32
        %mul3A_492 = arith.muli %scan3A_44, %mul3A_491 : i32
        %add3A_493 = arith.constant 5 : i32
        %add3A_494 = arith.addi %mul3A_492, %add3A_493 : i32
        %get3A_495 = arith.index_cast %add3A_494 : i32 to index
        %get3A_496 = arith.constant 0 : index
        %get3A_497 = tpu.vector_load %arg10[%get3A_495, %get3A_496] {strides = array<i32>} : memref<80x128xf32, #tpu.memory_space<vmem>>, vector<1x16xf32>,
        %get3A_498 = vector.shape_cast %get3A_497 : vector<1x16xf32> to vector<16xf32>
        %mul3A_499 = arith.mulf %get3A_498, %gather3A_490 : vector<16xf32>
        %swap3A_500 = arith.index_cast %add3A_494 : i32 to index
        %swap3A_501 = arith.constant 0 : index
        %swap3A_502 = tpu.vector_load %arg10[%swap3A_500, %swap3A_501] {strides = array<i32>} : memref<80x128xf32, #tpu.memory_space<vmem>>, vector<1x16xf32>,
        %swap3A_503 = vector.shape_cast %swap3A_502 : vector<1x16xf32> to vector<16xf32>
        %swap3A_504 = vector.shape_cast %mul3A_499 : vector<16xf32> to vector<1x16xf32>
        tpu.vector_store %arg10[%swap3A_500, %swap3A_501], %swap3A_504 {strides = array<i32>} : memref<80x128xf32, #tpu.memory_space<vmem>>, vector<1x16xf32>,
        %get3A_505 = arith.index_cast %add3A_494 : i32 to index
        %get3A_506 = arith.constant 16 : index
        %get3A_507 = tpu.vector_load %arg10[%get3A_505, %get3A_506] {strides = array<i32>} : memref<80x128xf32, #tpu.memory_space<vmem>>, vector<1x16xf32>,
        %get3A_508 = vector.shape_cast %get3A_507 : vector<1x16xf32> to vector<16xf32>
        %mul3A_509 = arith.mulf %get3A_508, %gather3A_490 : vector<16xf32>
        %swap3A_510 = arith.index_cast %add3A_494 : i32 to index
        %swap3A_511 = arith.constant 16 : index
        %swap3A_512 = tpu.vector_load %arg10[%swap3A_510, %swap3A_511] {strides = array<i32>} : memref<80x128xf32, #tpu.memory_space<vmem>>, vector<1x16xf32>,
        %swap3A_513 = vector.shape_cast %swap3A_512 : vector<1x16xf32> to vector<16xf32>
        %swap3A_514 = vector.shape_cast %mul3A_509 : vector<16xf32> to vector<1x16xf32>
        tpu.vector_store %arg10[%swap3A_510, %swap3A_511], %swap3A_514 {strides = array<i32>} : memref<80x128xf32, #tpu.memory_space<vmem>>, vector<1x16xf32>,
        %get3A_515 = arith.index_cast %add3A_494 : i32 to index
        %get3A_516 = arith.constant 32 : index
        %get3A_517 = tpu.vector_load %arg10[%get3A_515, %get3A_516] {strides = array<i32>} : memref<80x128xf32, #tpu.memory_space<vmem>>, vector<1x16xf32>,
        %get3A_518 = vector.shape_cast %get3A_517 : vector<1x16xf32> to vector<16xf32>
        %mul3A_519 = arith.mulf %get3A_518, %gather3A_490 : vector<16xf32>
        %swap3A_520 = arith.index_cast %add3A_494 : i32 to index
        %swap3A_521 = arith.constant 32 : index
        %swap3A_522 = tpu.vector_load %arg10[%swap3A_520, %swap3A_521] {strides = array<i32>} : memref<80x128xf32, #tpu.memory_space<vmem>>, vector<1x16xf32>,
        %swap3A_523 = vector.shape_cast %swap3A_522 : vector<1x16xf32> to vector<16xf32>
        %swap3A_524 = vector.shape_cast %mul3A_519 : vector<16xf32> to vector<1x16xf32>
        tpu.vector_store %arg10[%swap3A_520, %swap3A_521], %swap3A_524 {strides = array<i32>} : memref<80x128xf32, #tpu.memory_space<vmem>>, vector<1x16xf32>,
        %get3A_525 = arith.index_cast %add3A_494 : i32 to index
        %get3A_526 = arith.constant 48 : index
        %get3A_527 = tpu.vector_load %arg10[%get3A_525, %get3A_526] {strides = array<i32>} : memref<80x128xf32, #tpu.memory_space<vmem>>, vector<1x16xf32>,
        %get3A_528 = vector.shape_cast %get3A_527 : vector<1x16xf32> to vector<16xf32>
        %mul3A_529 = arith.mulf %get3A_528, %gather3A_490 : vector<16xf32>
        %swap3A_530 = arith.index_cast %add3A_494 : i32 to index
        %swap3A_531 = arith.constant 48 : index
        %swap3A_532 = tpu.vector_load %arg10[%swap3A_530, %swap3A_531] {strides = array<i32>} : memref<80x128xf32, #tpu.memory_space<vmem>>, vector<1x16xf32>,
        %swap3A_533 = vector.shape_cast %swap3A_532 : vector<1x16xf32> to vector<16xf32>
        %swap3A_534 = vector.shape_cast %mul3A_529 : vector<16xf32> to vector<1x16xf32>
        tpu.vector_store %arg10[%swap3A_530, %swap3A_531], %swap3A_534 {strides = array<i32>} : memref<80x128xf32, #tpu.memory_space<vmem>>, vector<1x16xf32>,
        %get3A_535 = arith.index_cast %add3A_494 : i32 to index
        %get3A_536 = arith.constant 64 : index
        %get3A_537 = tpu.vector_load %arg10[%get3A_535, %get3A_536] {strides = array<i32>} : memref<80x128xf32, #tpu.memory_space<vmem>>, vector<1x16xf32>,
        %get3A_538 = vector.shape_cast %get3A_537 : vector<1x16xf32> to vector<16xf32>
        %mul3A_539 = arith.mulf %get3A_538, %gather3A_490 : vector<16xf32>
        %swap3A_540 = arith.index_cast %add3A_494 : i32 to index
        %swap3A_541 = arith.constant 64 : index
        %swap3A_542 = tpu.vector_load %arg10[%swap3A_540, %swap3A_541] {strides = array<i32>} : memref<80x128xf32, #tpu.memory_space<vmem>>, vector<1x16xf32>,
        %swap3A_543 = vector.shape_cast %swap3A_542 : vector<1x16xf32> to vector<16xf32>
        %swap3A_544 = vector.shape_cast %mul3A_539 : vector<16xf32> to vector<1x16xf32>
        tpu.vector_store %arg10[%swap3A_540, %swap3A_541], %swap3A_544 {strides = array<i32>} : memref<80x128xf32, #tpu.memory_space<vmem>>, vector<1x16xf32>,
        %get3A_545 = arith.index_cast %add3A_494 : i32 to index
        %get3A_546 = arith.constant 80 : index
        %get3A_547 = tpu.vector_load %arg10[%get3A_545, %get3A_546] {strides = array<i32>} : memref<80x128xf32, #tpu.memory_space<vmem>>, vector<1x16xf32>,
        %get3A_548 = vector.shape_cast %get3A_547 : vector<1x16xf32> to vector<16xf32>
        %mul3A_549 = arith.mulf %get3A_548, %gather3A_490 : vector<16xf32>
        %swap3A_550 = arith.index_cast %add3A_494 : i32 to index
        %swap3A_551 = arith.constant 80 : index
        %swap3A_552 = tpu.vector_load %arg10[%swap3A_550, %swap3A_551] {strides = array<i32>} : memref<80x128xf32, #tpu.memory_space<vmem>>, vector<1x16xf32>,
        %swap3A_553 = vector.shape_cast %swap3A_552 : vector<1x16xf32> to vector<16xf32>
        %swap3A_554 = vector.shape_cast %mul3A_549 : vector<16xf32> to vector<1x16xf32>
        tpu.vector_store %arg10[%swap3A_550, %swap3A_551], %swap3A_554 {strides = array<i32>} : memref<80x128xf32, #tpu.memory_space<vmem>>, vector<1x16xf32>,
        %get3A_555 = arith.index_cast %add3A_494 : i32 to index
        %get3A_556 = arith.constant 96 : index
        %get3A_557 = tpu.vector_load %arg10[%get3A_555, %get3A_556] {strides = array<i32>} : memref<80x128xf32, #tpu.memory_space<vmem>>, vector<1x16xf32>,
        %get3A_558 = vector.shape_cast %get3A_557 : vector<1x16xf32> to vector<16xf32>
        %mul3A_559 = arith.mulf %get3A_558, %gather3A_490 : vector<16xf32>
        %swap3A_560 = arith.index_cast %add3A_494 : i32 to index
        %swap3A_561 = arith.constant 96 : index
        %swap3A_562 = tpu.vector_load %arg10[%swap3A_560, %swap3A_561] {strides = array<i32>} : memref<80x128xf32, #tpu.memory_space<vmem>>, vector<1x16xf32>,
        %swap3A_563 = vector.shape_cast %swap3A_562 : vector<1x16xf32> to vector<16xf32>
        %swap3A_564 = vector.shape_cast %mul3A_559 : vector<16xf32> to vector<1x16xf32>
        tpu.vector_store %arg10[%swap3A_560, %swap3A_561], %swap3A_564 {strides = array<i32>} : memref<80x128xf32, #tpu.memory_space<vmem>>, vector<1x16xf32>,
        %get3A_565 = arith.index_cast %add3A_494 : i32 to index
        %get3A_566 = arith.constant 112 : index
        %get3A_567 = tpu.vector_load %arg10[%get3A_565, %get3A_566] {strides = array<i32>} : memref<80x128xf32, #tpu.memory_space<vmem>>, vector<1x16xf32>,
        %get3A_568 = vector.shape_cast %get3A_567 : vector<1x16xf32> to vector<16xf32>
        %mul3A_569 = arith.mulf %get3A_568, %gather3A_490 : vector<16xf32>
        %swap3A_570 = arith.index_cast %add3A_494 : i32 to index
        %swap3A_571 = arith.constant 112 : index
        %swap3A_572 = tpu.vector_load %arg10[%swap3A_570, %swap3A_571] {strides = array<i32>} : memref<80x128xf32, #tpu.memory_space<vmem>>, vector<1x16xf32>,
        %swap3A_573 = vector.shape_cast %swap3A_572 : vector<1x16xf32> to vector<16xf32>
        %swap3A_574 = vector.shape_cast %mul3A_569 : vector<16xf32> to vector<1x16xf32>
        tpu.vector_store %arg10[%swap3A_570, %swap3A_571], %swap3A_574 {strides = array<i32>} : memref<80x128xf32, #tpu.memory_space<vmem>>, vector<1x16xf32>,
        %broadcast_in_dim3A_575 = arith.constant 6 : i32
        %broadcast_in_dim3A_576 = vector.broadcast %broadcast_in_dim3A_575 : i32 to vector<16x1xi32>
        %gather3A_577 = vector.shape_cast %broadcast_in_dim3A_576 : vector<16x1xi32> to vector<16xi32>
        %gather3A_578 = tpu.dynamic_gather %get3A_48[%gather3A_577] in [0] : vector<16xf32>, vector<16xi32> -> vector<16xf32>
        %mul3A_579 = arith.constant 16 : i32
        %mul3A_580 = arith.muli %scan3A_44, %mul3A_579 : i32
        %add3A_581 = arith.constant 6 : i32
        %add3A_582 = arith.addi %mul3A_580, %add3A_581 : i32
        %get3A_583 = arith.index_cast %add3A_582 : i32 to index
        %get3A_584 = arith.constant 0 : index
        %get3A_585 = tpu.vector_load %arg10[%get3A_583, %get3A_584] {strides = array<i32>} : memref<80x128xf32, #tpu.memory_space<vmem>>, vector<1x16xf32>,
        %get3A_586 = vector.shape_cast %get3A_585 : vector<1x16xf32> to vector<16xf32>
        %mul3A_587 = arith.mulf %get3A_586, %gather3A_578 : vector<16xf32>
        %swap3A_588 = arith.index_cast %add3A_582 : i32 to index
        %swap3A_589 = arith.constant 0 : index
        %swap3A_590 = tpu.vector_load %arg10[%swap3A_588, %swap3A_589] {strides = array<i32>} : memref<80x128xf32, #tpu.memory_space<vmem>>, vector<1x16xf32>,
        %swap3A_591 = vector.shape_cast %swap3A_590 : vector<1x16xf32> to vector<16xf32>
        %swap3A_592 = vector.shape_cast %mul3A_587 : vector<16xf32> to vector<1x16xf32>
        tpu.vector_store %arg10[%swap3A_588, %swap3A_589], %swap3A_592 {strides = array<i32>} : memref<80x128xf32, #tpu.memory_space<vmem>>, vector<1x16xf32>,
        %get3A_593 = arith.index_cast %add3A_582 : i32 to index
        %get3A_594 = arith.constant 16 : index
        %get3A_595 = tpu.vector_load %arg10[%get3A_593, %get3A_594] {strides = array<i32>} : memref<80x128xf32, #tpu.memory_space<vmem>>, vector<1x16xf32>,
        %get3A_596 = vector.shape_cast %get3A_595 : vector<1x16xf32> to vector<16xf32>
        %mul3A_597 = arith.mulf %get3A_596, %gather3A_578 : vector<16xf32>
        %swap3A_598 = arith.index_cast %add3A_582 : i32 to index
        %swap3A_599 = arith.constant 16 : index
        %swap3A_600 = tpu.vector_load %arg10[%swap3A_598, %swap3A_599] {strides = array<i32>} : memref<80x128xf32, #tpu.memory_space<vmem>>, vector<1x16xf32>,
        %swap3A_601 = vector.shape_cast %swap3A_600 : vector<1x16xf32> to vector<16xf32>
        %swap3A_602 = vector.shape_cast %mul3A_597 : vector<16xf32> to vector<1x16xf32>
        tpu.vector_store %arg10[%swap3A_598, %swap3A_599], %swap3A_602 {strides = array<i32>} : memref<80x128xf32, #tpu.memory_space<vmem>>, vector<1x16xf32>,
        %get3A_603 = arith.index_cast %add3A_582 : i32 to index
        %get3A_604 = arith.constant 32 : index
        %get3A_605 = tpu.vector_load %arg10[%get3A_603, %get3A_604] {strides = array<i32>} : memref<80x128xf32, #tpu.memory_space<vmem>>, vector<1x16xf32>,
        %get3A_606 = vector.shape_cast %get3A_605 : vector<1x16xf32> to vector<16xf32>
        %mul3A_607 = arith.mulf %get3A_606, %gather3A_578 : vector<16xf32>
        %swap3A_608 = arith.index_cast %add3A_582 : i32 to index
        %swap3A_609 = arith.constant 32 : index
        %swap3A_610 = tpu.vector_load %arg10[%swap3A_608, %swap3A_609] {strides = array<i32>} : memref<80x128xf32, #tpu.memory_space<vmem>>, vector<1x16xf32>,
        %swap3A_611 = vector.shape_cast %swap3A_610 : vector<1x16xf32> to vector<16xf32>
        %swap3A_612 = vector.shape_cast %mul3A_607 : vector<16xf32> to vector<1x16xf32>
        tpu.vector_store %arg10[%swap3A_608, %swap3A_609], %swap3A_612 {strides = array<i32>} : memref<80x128xf32, #tpu.memory_space<vmem>>, vector<1x16xf32>,
        %get3A_613 = arith.index_cast %add3A_582 : i32 to index
        %get3A_614 = arith.constant 48 : index
        %get3A_615 = tpu.vector_load %arg10[%get3A_613, %get3A_614] {strides = array<i32>} : memref<80x128xf32, #tpu.memory_space<vmem>>, vector<1x16xf32>,
        %get3A_616 = vector.shape_cast %get3A_615 : vector<1x16xf32> to vector<16xf32>
        %mul3A_617 = arith.mulf %get3A_616, %gather3A_578 : vector<16xf32>
        %swap3A_618 = arith.index_cast %add3A_582 : i32 to index
        %swap3A_619 = arith.constant 48 : index
        %swap3A_620 = tpu.vector_load %arg10[%swap3A_618, %swap3A_619] {strides = array<i32>} : memref<80x128xf32, #tpu.memory_space<vmem>>, vector<1x16xf32>,
        %swap3A_621 = vector.shape_cast %swap3A_620 : vector<1x16xf32> to vector<16xf32>
        %swap3A_622 = vector.shape_cast %mul3A_617 : vector<16xf32> to vector<1x16xf32>
        tpu.vector_store %arg10[%swap3A_618, %swap3A_619], %swap3A_622 {strides = array<i32>} : memref<80x128xf32, #tpu.memory_space<vmem>>, vector<1x16xf32>,
        %get3A_623 = arith.index_cast %add3A_582 : i32 to index
        %get3A_624 = arith.constant 64 : index
        %get3A_625 = tpu.vector_load %arg10[%get3A_623, %get3A_624] {strides = array<i32>} : memref<80x128xf32, #tpu.memory_space<vmem>>, vector<1x16xf32>,
        %get3A_626 = vector.shape_cast %get3A_625 : vector<1x16xf32> to vector<16xf32>
        %mul3A_627 = arith.mulf %get3A_626, %gather3A_578 : vector<16xf32>
        %swap3A_628 = arith.index_cast %add3A_582 : i32 to index
        %swap3A_629 = arith.constant 64 : index
        %swap3A_630 = tpu.vector_load %arg10[%swap3A_628, %swap3A_629] {strides = array<i32>} : memref<80x128xf32, #tpu.memory_space<vmem>>, vector<1x16xf32>,
        %swap3A_631 = vector.shape_cast %swap3A_630 : vector<1x16xf32> to vector<16xf32>
        %swap3A_632 = vector.shape_cast %mul3A_627 : vector<16xf32> to vector<1x16xf32>
        tpu.vector_store %arg10[%swap3A_628, %swap3A_629], %swap3A_632 {strides = array<i32>} : memref<80x128xf32, #tpu.memory_space<vmem>>, vector<1x16xf32>,
        %get3A_633 = arith.index_cast %add3A_582 : i32 to index
        %get3A_634 = arith.constant 80 : index
        %get3A_635 = tpu.vector_load %arg10[%get3A_633, %get3A_634] {strides = array<i32>} : memref<80x128xf32, #tpu.memory_space<vmem>>, vector<1x16xf32>,
        %get3A_636 = vector.shape_cast %get3A_635 : vector<1x16xf32> to vector<16xf32>
        %mul3A_637 = arith.mulf %get3A_636, %gather3A_578 : vector<16xf32>
        %swap3A_638 = arith.index_cast %add3A_582 : i32 to index
        %swap3A_639 = arith.constant 80 : index
        %swap3A_640 = tpu.vector_load %arg10[%swap3A_638, %swap3A_639] {strides = array<i32>} : memref<80x128xf32, #tpu.memory_space<vmem>>, vector<1x16xf32>,
        %swap3A_641 = vector.shape_cast %swap3A_640 : vector<1x16xf32> to vector<16xf32>
        %swap3A_642 = vector.shape_cast %mul3A_637 : vector<16xf32> to vector<1x16xf32>
        tpu.vector_store %arg10[%swap3A_638, %swap3A_639], %swap3A_642 {strides = array<i32>} : memref<80x128xf32, #tpu.memory_space<vmem>>, vector<1x16xf32>,
        %get3A_643 = arith.index_cast %add3A_582 : i32 to index
        %get3A_644 = arith.constant 96 : index
        %get3A_645 = tpu.vector_load %arg10[%get3A_643, %get3A_644] {strides = array<i32>} : memref<80x128xf32, #tpu.memory_space<vmem>>, vector<1x16xf32>,
        %get3A_646 = vector.shape_cast %get3A_645 : vector<1x16xf32> to vector<16xf32>
        %mul3A_647 = arith.mulf %get3A_646, %gather3A_578 : vector<16xf32>
        %swap3A_648 = arith.index_cast %add3A_582 : i32 to index
        %swap3A_649 = arith.constant 96 : index
        %swap3A_650 = tpu.vector_load %arg10[%swap3A_648, %swap3A_649] {strides = array<i32>} : memref<80x128xf32, #tpu.memory_space<vmem>>, vector<1x16xf32>,
        %swap3A_651 = vector.shape_cast %swap3A_650 : vector<1x16xf32> to vector<16xf32>
        %swap3A_652 = vector.shape_cast %mul3A_647 : vector<16xf32> to vector<1x16xf32>
        tpu.vector_store %arg10[%swap3A_648, %swap3A_649], %swap3A_652 {strides = array<i32>} : memref<80x128xf32, #tpu.memory_space<vmem>>, vector<1x16xf32>,
        %get3A_653 = arith.index_cast %add3A_582 : i32 to index
        %get3A_654 = arith.constant 112 : index
        %get3A_655 = tpu.vector_load %arg10[%get3A_653, %get3A_654] {strides = array<i32>} : memref<80x128xf32, #tpu.memory_space<vmem>>, vector<1x16xf32>,
        %get3A_656 = vector.shape_cast %get3A_655 : vector<1x16xf32> to vector<16xf32>
        %mul3A_657 = arith.mulf %get3A_656, %gather3A_578 : vector<16xf32>
        %swap3A_658 = arith.index_cast %add3A_582 : i32 to index
        %swap3A_659 = arith.constant 112 : index
        %swap3A_660 = tpu.vector_load %arg10[%swap3A_658, %swap3A_659] {strides = array<i32>} : memref<80x128xf32, #tpu.memory_space<vmem>>, vector<1x16xf32>,
        %swap3A_661 = vector.shape_cast %swap3A_660 : vector<1x16xf32> to vector<16xf32>
        %swap3A_662 = vector.shape_cast %mul3A_657 : vector<16xf32> to vector<1x16xf32>
        tpu.vector_store %arg10[%swap3A_658, %swap3A_659], %swap3A_662 {strides = array<i32>} : memref<80x128xf32, #tpu.memory_space<vmem>>, vector<1x16xf32>,
        %broadcast_in_dim3A_663 = arith.constant 7 : i32
        %broadcast_in_dim3A_664 = vector.broadcast %broadcast_in_dim3A_663 : i32 to vector<16x1xi32>
        %gather3A_665 = vector.shape_cast %broadcast_in_dim3A_664 : vector<16x1xi32> to vector<16xi32>
        %gather3A_666 = tpu.dynamic_gather %get3A_48[%gather3A_665] in [0] : vector<16xf32>, vector<16xi32> -> vector<16xf32>
        %mul3A_667 = arith.constant 16 : i32
        %mul3A_668 = arith.muli %scan3A_44, %mul3A_667 : i32
        %add3A_669 = arith.constant 7 : i32
        %add3A_670 = arith.addi %mul3A_668, %add3A_669 : i32
        %get3A_671 = arith.index_cast %add3A_670 : i32 to index
        %get3A_672 = arith.constant 0 : index
        %get3A_673 = tpu.vector_load %arg10[%get3A_671, %get3A_672] {strides = array<i32>} : memref<80x128xf32, #tpu.memory_space<vmem>>, vector<1x16xf32>,
        %get3A_674 = vector.shape_cast %get3A_673 : vector<1x16xf32> to vector<16xf32>
        %mul3A_675 = arith.mulf %get3A_674, %gather3A_666 : vector<16xf32>
        %swap3A_676 = arith.index_cast %add3A_670 : i32 to index
        %swap3A_677 = arith.constant 0 : index
        %swap3A_678 = tpu.vector_load %arg10[%swap3A_676, %swap3A_677] {strides = array<i32>} : memref<80x128xf32, #tpu.memory_space<vmem>>, vector<1x16xf32>,
        %swap3A_679 = vector.shape_cast %swap3A_678 : vector<1x16xf32> to vector<16xf32>
        %swap3A_680 = vector.shape_cast %mul3A_675 : vector<16xf32> to vector<1x16xf32>
        tpu.vector_store %arg10[%swap3A_676, %swap3A_677], %swap3A_680 {strides = array<i32>} : memref<80x128xf32, #tpu.memory_space<vmem>>, vector<1x16xf32>,
        %get3A_681 = arith.index_cast %add3A_670 : i32 to index
        %get3A_682 = arith.constant 16 : index
        %get3A_683 = tpu.vector_load %arg10[%get3A_681, %get3A_682] {strides = array<i32>} : memref<80x128xf32, #tpu.memory_space<vmem>>, vector<1x16xf32>,
        %get3A_684 = vector.shape_cast %get3A_683 : vector<1x16xf32> to vector<16xf32>
        %mul3A_685 = arith.mulf %get3A_684, %gather3A_666 : vector<16xf32>
        %swap3A_686 = arith.index_cast %add3A_670 : i32 to index
        %swap3A_687 = arith.constant 16 : index
        %swap3A_688 = tpu.vector_load %arg10[%swap3A_686, %swap3A_687] {strides = array<i32>} : memref<80x128xf32, #tpu.memory_space<vmem>>, vector<1x16xf32>,
        %swap3A_689 = vector.shape_cast %swap3A_688 : vector<1x16xf32> to vector<16xf32>
        %swap3A_690 = vector.shape_cast %mul3A_685 : vector<16xf32> to vector<1x16xf32>
        tpu.vector_store %arg10[%swap3A_686, %swap3A_687], %swap3A_690 {strides = array<i32>} : memref<80x128xf32, #tpu.memory_space<vmem>>, vector<1x16xf32>,
        %get3A_691 = arith.index_cast %add3A_670 : i32 to index
        %get3A_692 = arith.constant 32 : index
        %get3A_693 = tpu.vector_load %arg10[%get3A_691, %get3A_692] {strides = array<i32>} : memref<80x128xf32, #tpu.memory_space<vmem>>, vector<1x16xf32>,
        %get3A_694 = vector.shape_cast %get3A_693 : vector<1x16xf32> to vector<16xf32>
        %mul3A_695 = arith.mulf %get3A_694, %gather3A_666 : vector<16xf32>
        %swap3A_696 = arith.index_cast %add3A_670 : i32 to index
        %swap3A_697 = arith.constant 32 : index
        %swap3A_698 = tpu.vector_load %arg10[%swap3A_696, %swap3A_697] {strides = array<i32>} : memref<80x128xf32, #tpu.memory_space<vmem>>, vector<1x16xf32>,
        %swap3A_699 = vector.shape_cast %swap3A_698 : vector<1x16xf32> to vector<16xf32>
        %swap3A_700 = vector.shape_cast %mul3A_695 : vector<16xf32> to vector<1x16xf32>
        tpu.vector_store %arg10[%swap3A_696, %swap3A_697], %swap3A_700 {strides = array<i32>} : memref<80x128xf32, #tpu.memory_space<vmem>>, vector<1x16xf32>,
        %get3A_701 = arith.index_cast %add3A_670 : i32 to index
        %get3A_702 = arith.constant 48 : index
        %get3A_703 = tpu.vector_load %arg10[%get3A_701, %get3A_702] {strides = array<i32>} : memref<80x128xf32, #tpu.memory_space<vmem>>, vector<1x16xf32>,
        %get3A_704 = vector.shape_cast %get3A_703 : vector<1x16xf32> to vector<16xf32>
        %mul3A_705 = arith.mulf %get3A_704, %gather3A_666 : vector<16xf32>
        %swap3A_706 = arith.index_cast %add3A_670 : i32 to index
        %swap3A_707 = arith.constant 48 : index
        %swap3A_708 = tpu.vector_load %arg10[%swap3A_706, %swap3A_707] {strides = array<i32>} : memref<80x128xf32, #tpu.memory_space<vmem>>, vector<1x16xf32>,
        %swap3A_709 = vector.shape_cast %swap3A_708 : vector<1x16xf32> to vector<16xf32>
        %swap3A_710 = vector.shape_cast %mul3A_705 : vector<16xf32> to vector<1x16xf32>
        tpu.vector_store %arg10[%swap3A_706, %swap3A_707], %swap3A_710 {strides = array<i32>} : memref<80x128xf32, #tpu.memory_space<vmem>>, vector<1x16xf32>,
        %get3A_711 = arith.index_cast %add3A_670 : i32 to index
        %get3A_712 = arith.constant 64 : index
        %get3A_713 = tpu.vector_load %arg10[%get3A_711, %get3A_712] {strides = array<i32>} : memref<80x128xf32, #tpu.memory_space<vmem>>, vector<1x16xf32>,
        %get3A_714 = vector.shape_cast %get3A_713 : vector<1x16xf32> to vector<16xf32>
        %mul3A_715 = arith.mulf %get3A_714, %gather3A_666 : vector<16xf32>
        %swap3A_716 = arith.index_cast %add3A_670 : i32 to index
        %swap3A_717 = arith.constant 64 : index
        %swap3A_718 = tpu.vector_load %arg10[%swap3A_716, %swap3A_717] {strides = array<i32>} : memref<80x128xf32, #tpu.memory_space<vmem>>, vector<1x16xf32>,
        %swap3A_719 = vector.shape_cast %swap3A_718 : vector<1x16xf32> to vector<16xf32>
        %swap3A_720 = vector.shape_cast %mul3A_715 : vector<16xf32> to vector<1x16xf32>
        tpu.vector_store %arg10[%swap3A_716, %swap3A_717], %swap3A_720 {strides = array<i32>} : memref<80x128xf32, #tpu.memory_space<vmem>>, vector<1x16xf32>,
        %get3A_721 = arith.index_cast %add3A_670 : i32 to index
        %get3A_722 = arith.constant 80 : index
        %get3A_723 = tpu.vector_load %arg10[%get3A_721, %get3A_722] {strides = array<i32>} : memref<80x128xf32, #tpu.memory_space<vmem>>, vector<1x16xf32>,
        %get3A_724 = vector.shape_cast %get3A_723 : vector<1x16xf32> to vector<16xf32>
        %mul3A_725 = arith.mulf %get3A_724, %gather3A_666 : vector<16xf32>
        %swap3A_726 = arith.index_cast %add3A_670 : i32 to index
        %swap3A_727 = arith.constant 80 : index
        %swap3A_728 = tpu.vector_load %arg10[%swap3A_726, %swap3A_727] {strides = array<i32>} : memref<80x128xf32, #tpu.memory_space<vmem>>, vector<1x16xf32>,
        %swap3A_729 = vector.shape_cast %swap3A_728 : vector<1x16xf32> to vector<16xf32>
        %swap3A_730 = vector.shape_cast %mul3A_725 : vector<16xf32> to vector<1x16xf32>
        tpu.vector_store %arg10[%swap3A_726, %swap3A_727], %swap3A_730 {strides = array<i32>} : memref<80x128xf32, #tpu.memory_space<vmem>>, vector<1x16xf32>,
        %get3A_731 = arith.index_cast %add3A_670 : i32 to index
        %get3A_732 = arith.constant 96 : index
        %get3A_733 = tpu.vector_load %arg10[%get3A_731, %get3A_732] {strides = array<i32>} : memref<80x128xf32, #tpu.memory_space<vmem>>, vector<1x16xf32>,
        %get3A_734 = vector.shape_cast %get3A_733 : vector<1x16xf32> to vector<16xf32>
        %mul3A_735 = arith.mulf %get3A_734, %gather3A_666 : vector<16xf32>
        %swap3A_736 = arith.index_cast %add3A_670 : i32 to index
        %swap3A_737 = arith.constant 96 : index
        %swap3A_738 = tpu.vector_load %arg10[%swap3A_736, %swap3A_737] {strides = array<i32>} : memref<80x128xf32, #tpu.memory_space<vmem>>, vector<1x16xf32>,
        %swap3A_739 = vector.shape_cast %swap3A_738 : vector<1x16xf32> to vector<16xf32>
        %swap3A_740 = vector.shape_cast %mul3A_735 : vector<16xf32> to vector<1x16xf32>
        tpu.vector_store %arg10[%swap3A_736, %swap3A_737], %swap3A_740 {strides = array<i32>} : memref<80x128xf32, #tpu.memory_space<vmem>>, vector<1x16xf32>,
        %get3A_741 = arith.index_cast %add3A_670 : i32 to index
        %get3A_742 = arith.constant 112 : index
        %get3A_743 = tpu.vector_load %arg10[%get3A_741, %get3A_742] {strides = array<i32>} : memref<80x128xf32, #tpu.memory_space<vmem>>, vector<1x16xf32>,
        %get3A_744 = vector.shape_cast %get3A_743 : vector<1x16xf32> to vector<16xf32>
        %mul3A_745 = arith.mulf %get3A_744, %gather3A_666 : vector<16xf32>
        %swap3A_746 = arith.index_cast %add3A_670 : i32 to index
        %swap3A_747 = arith.constant 112 : index
        %swap3A_748 = tpu.vector_load %arg10[%swap3A_746, %swap3A_747] {strides = array<i32>} : memref<80x128xf32, #tpu.memory_space<vmem>>, vector<1x16xf32>,
        %swap3A_749 = vector.shape_cast %swap3A_748 : vector<1x16xf32> to vector<16xf32>
        %swap3A_750 = vector.shape_cast %mul3A_745 : vector<16xf32> to vector<1x16xf32>
        tpu.vector_store %arg10[%swap3A_746, %swap3A_747], %swap3A_750 {strides = array<i32>} : memref<80x128xf32, #tpu.memory_space<vmem>>, vector<1x16xf32>,
        %broadcast_in_dim3A_751 = arith.constant 8 : i32
        %broadcast_in_dim3A_752 = vector.broadcast %broadcast_in_dim3A_751 : i32 to vector<16x1xi32>
        %gather3A_753 = vector.shape_cast %broadcast_in_dim3A_752 : vector<16x1xi32> to vector<16xi32>
        %gather3A_754 = tpu.dynamic_gather %get3A_48[%gather3A_753] in [0] : vector<16xf32>, vector<16xi32> -> vector<16xf32>
        %mul3A_755 = arith.constant 16 : i32
        %mul3A_756 = arith.muli %scan3A_44, %mul3A_755 : i32
        %add3A_757 = arith.constant 8 : i32
        %add3A_758 = arith.addi %mul3A_756, %add3A_757 : i32
        %get3A_759 = arith.index_cast %add3A_758 : i32 to index
        %get3A_760 = arith.constant 0 : index
        %get3A_761 = tpu.vector_load %arg10[%get3A_759, %get3A_760] {strides = array<i32>} : memref<80x128xf32, #tpu.memory_space<vmem>>, vector<1x16xf32>,
        %get3A_762 = vector.shape_cast %get3A_761 : vector<1x16xf32> to vector<16xf32>
        %mul3A_763 = arith.mulf %get3A_762, %gather3A_754 : vector<16xf32>
        %swap3A_764 = arith.index_cast %add3A_758 : i32 to index
        %swap3A_765 = arith.constant 0 : index
        %swap3A_766 = tpu.vector_load %arg10[%swap3A_764, %swap3A_765] {strides = array<i32>} : memref<80x128xf32, #tpu.memory_space<vmem>>, vector<1x16xf32>,
        %swap3A_767 = vector.shape_cast %swap3A_766 : vector<1x16xf32> to vector<16xf32>
        %swap3A_768 = vector.shape_cast %mul3A_763 : vector<16xf32> to vector<1x16xf32>
        tpu.vector_store %arg10[%swap3A_764, %swap3A_765], %swap3A_768 {strides = array<i32>} : memref<80x128xf32, #tpu.memory_space<vmem>>, vector<1x16xf32>,
        %get3A_769 = arith.index_cast %add3A_758 : i32 to index
        %get3A_770 = arith.constant 16 : index
        %get3A_771 = tpu.vector_load %arg10[%get3A_769, %get3A_770] {strides = array<i32>} : memref<80x128xf32, #tpu.memory_space<vmem>>, vector<1x16xf32>,
        %get3A_772 = vector.shape_cast %get3A_771 : vector<1x16xf32> to vector<16xf32>
        %mul3A_773 = arith.mulf %get3A_772, %gather3A_754 : vector<16xf32>
        %swap3A_774 = arith.index_cast %add3A_758 : i32 to index
        %swap3A_775 = arith.constant 16 : index
        %swap3A_776 = tpu.vector_load %arg10[%swap3A_774, %swap3A_775] {strides = array<i32>} : memref<80x128xf32, #tpu.memory_space<vmem>>, vector<1x16xf32>,
        %swap3A_777 = vector.shape_cast %swap3A_776 : vector<1x16xf32> to vector<16xf32>
        %swap3A_778 = vector.shape_cast %mul3A_773 : vector<16xf32> to vector<1x16xf32>
        tpu.vector_store %arg10[%swap3A_774, %swap3A_775], %swap3A_778 {strides = array<i32>} : memref<80x128xf32, #tpu.memory_space<vmem>>, vector<1x16xf32>,
        %get3A_779 = arith.index_cast %add3A_758 : i32 to index
        %get3A_780 = arith.constant 32 : index
        %get3A_781 = tpu.vector_load %arg10[%get3A_779, %get3A_780] {strides = array<i32>} : memref<80x128xf32, #tpu.memory_space<vmem>>, vector<1x16xf32>,
        %get3A_782 = vector.shape_cast %get3A_781 : vector<1x16xf32> to vector<16xf32>
        %mul3A_783 = arith.mulf %get3A_782, %gather3A_754 : vector<16xf32>
        %swap3A_784 = arith.index_cast %add3A_758 : i32 to index
        %swap3A_785 = arith.constant 32 : index
        %swap3A_786 = tpu.vector_load %arg10[%swap3A_784, %swap3A_785] {strides = array<i32>} : memref<80x128xf32, #tpu.memory_space<vmem>>, vector<1x16xf32>,
        %swap3A_787 = vector.shape_cast %swap3A_786 : vector<1x16xf32> to vector<16xf32>
        %swap3A_788 = vector.shape_cast %mul3A_783 : vector<16xf32> to vector<1x16xf32>
        tpu.vector_store %arg10[%swap3A_784, %swap3A_785], %swap3A_788 {strides = array<i32>} : memref<80x128xf32, #tpu.memory_space<vmem>>, vector<1x16xf32>,
        %get3A_789 = arith.index_cast %add3A_758 : i32 to index
        %get3A_790 = arith.constant 48 : index
        %get3A_791 = tpu.vector_load %arg10[%get3A_789, %get3A_790] {strides = array<i32>} : memref<80x128xf32, #tpu.memory_space<vmem>>, vector<1x16xf32>,
        %get3A_792 = vector.shape_cast %get3A_791 : vector<1x16xf32> to vector<16xf32>
        %mul3A_793 = arith.mulf %get3A_792, %gather3A_754 : vector<16xf32>
        %swap3A_794 = arith.index_cast %add3A_758 : i32 to index
        %swap3A_795 = arith.constant 48 : index
        %swap3A_796 = tpu.vector_load %arg10[%swap3A_794, %swap3A_795] {strides = array<i32>} : memref<80x128xf32, #tpu.memory_space<vmem>>, vector<1x16xf32>,
        %swap3A_797 = vector.shape_cast %swap3A_796 : vector<1x16xf32> to vector<16xf32>
        %swap3A_798 = vector.shape_cast %mul3A_793 : vector<16xf32> to vector<1x16xf32>
        tpu.vector_store %arg10[%swap3A_794, %swap3A_795], %swap3A_798 {strides = array<i32>} : memref<80x128xf32, #tpu.memory_space<vmem>>, vector<1x16xf32>,
        %get3A_799 = arith.index_cast %add3A_758 : i32 to index
        %get3A_800 = arith.constant 64 : index
        %get3A_801 = tpu.vector_load %arg10[%get3A_799, %get3A_800] {strides = array<i32>} : memref<80x128xf32, #tpu.memory_space<vmem>>, vector<1x16xf32>,
        %get3A_802 = vector.shape_cast %get3A_801 : vector<1x16xf32> to vector<16xf32>
        %mul3A_803 = arith.mulf %get3A_802, %gather3A_754 : vector<16xf32>
        %swap3A_804 = arith.index_cast %add3A_758 : i32 to index
        %swap3A_805 = arith.constant 64 : index
        %swap3A_806 = tpu.vector_load %arg10[%swap3A_804, %swap3A_805] {strides = array<i32>} : memref<80x128xf32, #tpu.memory_space<vmem>>, vector<1x16xf32>,
        %swap3A_807 = vector.shape_cast %swap3A_806 : vector<1x16xf32> to vector<16xf32>
        %swap3A_808 = vector.shape_cast %mul3A_803 : vector<16xf32> to vector<1x16xf32>
        tpu.vector_store %arg10[%swap3A_804, %swap3A_805], %swap3A_808 {strides = array<i32>} : memref<80x128xf32, #tpu.memory_space<vmem>>, vector<1x16xf32>,
        %get3A_809 = arith.index_cast %add3A_758 : i32 to index
        %get3A_810 = arith.constant 80 : index
        %get3A_811 = tpu.vector_load %arg10[%get3A_809, %get3A_810] {strides = array<i32>} : memref<80x128xf32, #tpu.memory_space<vmem>>, vector<1x16xf32>,
        %get3A_812 = vector.shape_cast %get3A_811 : vector<1x16xf32> to vector<16xf32>
        %mul3A_813 = arith.mulf %get3A_812, %gather3A_754 : vector<16xf32>
        %swap3A_814 = arith.index_cast %add3A_758 : i32 to index
        %swap3A_815 = arith.constant 80 : index
        %swap3A_816 = tpu.vector_load %arg10[%swap3A_814, %swap3A_815] {strides = array<i32>} : memref<80x128xf32, #tpu.memory_space<vmem>>, vector<1x16xf32>,
        %swap3A_817 = vector.shape_cast %swap3A_816 : vector<1x16xf32> to vector<16xf32>
        %swap3A_818 = vector.shape_cast %mul3A_813 : vector<16xf32> to vector<1x16xf32>
        tpu.vector_store %arg10[%swap3A_814, %swap3A_815], %swap3A_818 {strides = array<i32>} : memref<80x128xf32, #tpu.memory_space<vmem>>, vector<1x16xf32>,
        %get3A_819 = arith.index_cast %add3A_758 : i32 to index
        %get3A_820 = arith.constant 96 : index
        %get3A_821 = tpu.vector_load %arg10[%get3A_819, %get3A_820] {strides = array<i32>} : memref<80x128xf32, #tpu.memory_space<vmem>>, vector<1x16xf32>,
        %get3A_822 = vector.shape_cast %get3A_821 : vector<1x16xf32> to vector<16xf32>
        %mul3A_823 = arith.mulf %get3A_822, %gather3A_754 : vector<16xf32>
        %swap3A_824 = arith.index_cast %add3A_758 : i32 to index
        %swap3A_825 = arith.constant 96 : index
        %swap3A_826 = tpu.vector_load %arg10[%swap3A_824, %swap3A_825] {strides = array<i32>} : memref<80x128xf32, #tpu.memory_space<vmem>>, vector<1x16xf32>,
        %swap3A_827 = vector.shape_cast %swap3A_826 : vector<1x16xf32> to vector<16xf32>
        %swap3A_828 = vector.shape_cast %mul3A_823 : vector<16xf32> to vector<1x16xf32>
        tpu.vector_store %arg10[%swap3A_824, %swap3A_825], %swap3A_828 {strides = array<i32>} : memref<80x128xf32, #tpu.memory_space<vmem>>, vector<1x16xf32>,
        %get3A_829 = arith.index_cast %add3A_758 : i32 to index
        %get3A_830 = arith.constant 112 : index
        %get3A_831 = tpu.vector_load %arg10[%get3A_829, %get3A_830] {strides = array<i32>} : memref<80x128xf32, #tpu.memory_space<vmem>>, vector<1x16xf32>,
        %get3A_832 = vector.shape_cast %get3A_831 : vector<1x16xf32> to vector<16xf32>
        %mul3A_833 = arith.mulf %get3A_832, %gather3A_754 : vector<16xf32>
        %swap3A_834 = arith.index_cast %add3A_758 : i32 to index
        %swap3A_835 = arith.constant 112 : index
        %swap3A_836 = tpu.vector_load %arg10[%swap3A_834, %swap3A_835] {strides = array<i32>} : memref<80x128xf32, #tpu.memory_space<vmem>>, vector<1x16xf32>,
        %swap3A_837 = vector.shape_cast %swap3A_836 : vector<1x16xf32> to vector<16xf32>
        %swap3A_838 = vector.shape_cast %mul3A_833 : vector<16xf32> to vector<1x16xf32>
        tpu.vector_store %arg10[%swap3A_834, %swap3A_835], %swap3A_838 {strides = array<i32>} : memref<80x128xf32, #tpu.memory_space<vmem>>, vector<1x16xf32>,
        %broadcast_in_dim3A_839 = arith.constant 9 : i32
        %broadcast_in_dim3A_840 = vector.broadcast %broadcast_in_dim3A_839 : i32 to vector<16x1xi32>
        %gather3A_841 = vector.shape_cast %broadcast_in_dim3A_840 : vector<16x1xi32> to vector<16xi32>
        %gather3A_842 = tpu.dynamic_gather %get3A_48[%gather3A_841] in [0] : vector<16xf32>, vector<16xi32> -> vector<16xf32>
        %mul3A_843 = arith.constant 16 : i32
        %mul3A_844 = arith.muli %scan3A_44, %mul3A_843 : i32
        %add3A_845 = arith.constant 9 : i32
        %add3A_846 = arith.addi %mul3A_844, %add3A_845 : i32
        %get3A_847 = arith.index_cast %add3A_846 : i32 to index
        %get3A_848 = arith.constant 0 : index
        %get3A_849 = tpu.vector_load %arg10[%get3A_847, %get3A_848] {strides = array<i32>} : memref<80x128xf32, #tpu.memory_space<vmem>>, vector<1x16xf32>,
        %get3A_850 = vector.shape_cast %get3A_849 : vector<1x16xf32> to vector<16xf32>
        %mul3A_851 = arith.mulf %get3A_850, %gather3A_842 : vector<16xf32>
        %swap3A_852 = arith.index_cast %add3A_846 : i32 to index
        %swap3A_853 = arith.constant 0 : index
        %swap3A_854 = tpu.vector_load %arg10[%swap3A_852, %swap3A_853] {strides = array<i32>} : memref<80x128xf32, #tpu.memory_space<vmem>>, vector<1x16xf32>,
        %swap3A_855 = vector.shape_cast %swap3A_854 : vector<1x16xf32> to vector<16xf32>
        %swap3A_856 = vector.shape_cast %mul3A_851 : vector<16xf32> to vector<1x16xf32>
        tpu.vector_store %arg10[%swap3A_852, %swap3A_853], %swap3A_856 {strides = array<i32>} : memref<80x128xf32, #tpu.memory_space<vmem>>, vector<1x16xf32>,
        %get3A_857 = arith.index_cast %add3A_846 : i32 to index
        %get3A_858 = arith.constant 16 : index
        %get3A_859 = tpu.vector_load %arg10[%get3A_857, %get3A_858] {strides = array<i32>} : memref<80x128xf32, #tpu.memory_space<vmem>>, vector<1x16xf32>,
        %get3A_860 = vector.shape_cast %get3A_859 : vector<1x16xf32> to vector<16xf32>
        %mul3A_861 = arith.mulf %get3A_860, %gather3A_842 : vector<16xf32>
        %swap3A_862 = arith.index_cast %add3A_846 : i32 to index
        %swap3A_863 = arith.constant 16 : index
        %swap3A_864 = tpu.vector_load %arg10[%swap3A_862, %swap3A_863] {strides = array<i32>} : memref<80x128xf32, #tpu.memory_space<vmem>>, vector<1x16xf32>,
        %swap3A_865 = vector.shape_cast %swap3A_864 : vector<1x16xf32> to vector<16xf32>
        %swap3A_866 = vector.shape_cast %mul3A_861 : vector<16xf32> to vector<1x16xf32>
        tpu.vector_store %arg10[%swap3A_862, %swap3A_863], %swap3A_866 {strides = array<i32>} : memref<80x128xf32, #tpu.memory_space<vmem>>, vector<1x16xf32>,
        %get3A_867 = arith.index_cast %add3A_846 : i32 to index
        %get3A_868 = arith.constant 32 : index
        %get3A_869 = tpu.vector_load %arg10[%get3A_867, %get3A_868] {strides = array<i32>} : memref<80x128xf32, #tpu.memory_space<vmem>>, vector<1x16xf32>,
        %get3A_870 = vector.shape_cast %get3A_869 : vector<1x16xf32> to vector<16xf32>
        %mul3A_871 = arith.mulf %get3A_870, %gather3A_842 : vector<16xf32>
        %swap3A_872 = arith.index_cast %add3A_846 : i32 to index
        %swap3A_873 = arith.constant 32 : index
        %swap3A_874 = tpu.vector_load %arg10[%swap3A_872, %swap3A_873] {strides = array<i32>} : memref<80x128xf32, #tpu.memory_space<vmem>>, vector<1x16xf32>,
        %swap3A_875 = vector.shape_cast %swap3A_874 : vector<1x16xf32> to vector<16xf32>
        %swap3A_876 = vector.shape_cast %mul3A_871 : vector<16xf32> to vector<1x16xf32>
        tpu.vector_store %arg10[%swap3A_872, %swap3A_873], %swap3A_876 {strides = array<i32>} : memref<80x128xf32, #tpu.memory_space<vmem>>, vector<1x16xf32>,
        %get3A_877 = arith.index_cast %add3A_846 : i32 to index
        %get3A_878 = arith.constant 48 : index
        %get3A_879 = tpu.vector_load %arg10[%get3A_877, %get3A_878] {strides = array<i32>} : memref<80x128xf32, #tpu.memory_space<vmem>>, vector<1x16xf32>,
        %get3A_880 = vector.shape_cast %get3A_879 : vector<1x16xf32> to vector<16xf32>
        %mul3A_881 = arith.mulf %get3A_880, %gather3A_842 : vector<16xf32>
        %swap3A_882 = arith.index_cast %add3A_846 : i32 to index
        %swap3A_883 = arith.constant 48 : index
        %swap3A_884 = tpu.vector_load %arg10[%swap3A_882, %swap3A_883] {strides = array<i32>} : memref<80x128xf32, #tpu.memory_space<vmem>>, vector<1x16xf32>,
        %swap3A_885 = vector.shape_cast %swap3A_884 : vector<1x16xf32> to vector<16xf32>
        %swap3A_886 = vector.shape_cast %mul3A_881 : vector<16xf32> to vector<1x16xf32>
        tpu.vector_store %arg10[%swap3A_882, %swap3A_883], %swap3A_886 {strides = array<i32>} : memref<80x128xf32, #tpu.memory_space<vmem>>, vector<1x16xf32>,
        %get3A_887 = arith.index_cast %add3A_846 : i32 to index
        %get3A_888 = arith.constant 64 : index
        %get3A_889 = tpu.vector_load %arg10[%get3A_887, %get3A_888] {strides = array<i32>} : memref<80x128xf32, #tpu.memory_space<vmem>>, vector<1x16xf32>,
        %get3A_890 = vector.shape_cast %get3A_889 : vector<1x16xf32> to vector<16xf32>
        %mul3A_891 = arith.mulf %get3A_890, %gather3A_842 : vector<16xf32>
        %swap3A_892 = arith.index_cast %add3A_846 : i32 to index
        %swap3A_893 = arith.constant 64 : index
        %swap3A_894 = tpu.vector_load %arg10[%swap3A_892, %swap3A_893] {strides = array<i32>} : memref<80x128xf32, #tpu.memory_space<vmem>>, vector<1x16xf32>,
        %swap3A_895 = vector.shape_cast %swap3A_894 : vector<1x16xf32> to vector<16xf32>
        %swap3A_896 = vector.shape_cast %mul3A_891 : vector<16xf32> to vector<1x16xf32>
        tpu.vector_store %arg10[%swap3A_892, %swap3A_893], %swap3A_896 {strides = array<i32>} : memref<80x128xf32, #tpu.memory_space<vmem>>, vector<1x16xf32>,
        %get3A_897 = arith.index_cast %add3A_846 : i32 to index
        %get3A_898 = arith.constant 80 : index
        %get3A_899 = tpu.vector_load %arg10[%get3A_897, %get3A_898] {strides = array<i32>} : memref<80x128xf32, #tpu.memory_space<vmem>>, vector<1x16xf32>,
        %get3A_900 = vector.shape_cast %get3A_899 : vector<1x16xf32> to vector<16xf32>
        %mul3A_901 = arith.mulf %get3A_900, %gather3A_842 : vector<16xf32>
        %swap3A_902 = arith.index_cast %add3A_846 : i32 to index
        %swap3A_903 = arith.constant 80 : index
        %swap3A_904 = tpu.vector_load %arg10[%swap3A_902, %swap3A_903] {strides = array<i32>} : memref<80x128xf32, #tpu.memory_space<vmem>>, vector<1x16xf32>,
        %swap3A_905 = vector.shape_cast %swap3A_904 : vector<1x16xf32> to vector<16xf32>
        %swap3A_906 = vector.shape_cast %mul3A_901 : vector<16xf32> to vector<1x16xf32>
        tpu.vector_store %arg10[%swap3A_902, %swap3A_903], %swap3A_906 {strides = array<i32>} : memref<80x128xf32, #tpu.memory_space<vmem>>, vector<1x16xf32>,
        %get3A_907 = arith.index_cast %add3A_846 : i32 to index
        %get3A_908 = arith.constant 96 : index
        %get3A_909 = tpu.vector_load %arg10[%get3A_907, %get3A_908] {strides = array<i32>} : memref<80x128xf32, #tpu.memory_space<vmem>>, vector<1x16xf32>,
        %get3A_910 = vector.shape_cast %get3A_909 : vector<1x16xf32> to vector<16xf32>
        %mul3A_911 = arith.mulf %get3A_910, %gather3A_842 : vector<16xf32>
        %swap3A_912 = arith.index_cast %add3A_846 : i32 to index
        %swap3A_913 = arith.constant 96 : index
        %swap3A_914 = tpu.vector_load %arg10[%swap3A_912, %swap3A_913] {strides = array<i32>} : memref<80x128xf32, #tpu.memory_space<vmem>>, vector<1x16xf32>,
        %swap3A_915 = vector.shape_cast %swap3A_914 : vector<1x16xf32> to vector<16xf32>
        %swap3A_916 = vector.shape_cast %mul3A_911 : vector<16xf32> to vector<1x16xf32>
        tpu.vector_store %arg10[%swap3A_912, %swap3A_913], %swap3A_916 {strides = array<i32>} : memref<80x128xf32, #tpu.memory_space<vmem>>, vector<1x16xf32>,
        %get3A_917 = arith.index_cast %add3A_846 : i32 to index
        %get3A_918 = arith.constant 112 : index
        %get3A_919 = tpu.vector_load %arg10[%get3A_917, %get3A_918] {strides = array<i32>} : memref<80x128xf32, #tpu.memory_space<vmem>>, vector<1x16xf32>,
        %get3A_920 = vector.shape_cast %get3A_919 : vector<1x16xf32> to vector<16xf32>
        %mul3A_921 = arith.mulf %get3A_920, %gather3A_842 : vector<16xf32>
        %swap3A_922 = arith.index_cast %add3A_846 : i32 to index
        %swap3A_923 = arith.constant 112 : index
        %swap3A_924 = tpu.vector_load %arg10[%swap3A_922, %swap3A_923] {strides = array<i32>} : memref<80x128xf32, #tpu.memory_space<vmem>>, vector<1x16xf32>,
        %swap3A_925 = vector.shape_cast %swap3A_924 : vector<1x16xf32> to vector<16xf32>
        %swap3A_926 = vector.shape_cast %mul3A_921 : vector<16xf32> to vector<1x16xf32>
        tpu.vector_store %arg10[%swap3A_922, %swap3A_923], %swap3A_926 {strides = array<i32>} : memref<80x128xf32, #tpu.memory_space<vmem>>, vector<1x16xf32>,
        %broadcast_in_dim3A_927 = arith.constant 10 : i32
        %broadcast_in_dim3A_928 = vector.broadcast %broadcast_in_dim3A_927 : i32 to vector<16x1xi32>
        %gather3A_929 = vector.shape_cast %broadcast_in_dim3A_928 : vector<16x1xi32> to vector<16xi32>
        %gather3A_930 = tpu.dynamic_gather %get3A_48[%gather3A_929] in [0] : vector<16xf32>, vector<16xi32> -> vector<16xf32>
        %mul3A_931 = arith.constant 16 : i32
        %mul3A_932 = arith.muli %scan3A_44, %mul3A_931 : i32
        %add3A_933 = arith.constant 10 : i32
        %add3A_934 = arith.addi %mul3A_932, %add3A_933 : i32
        %get3A_935 = arith.index_cast %add3A_934 : i32 to index
        %get3A_936 = arith.constant 0 : index
        %get3A_937 = tpu.vector_load %arg10[%get3A_935, %get3A_936] {strides = array<i32>} : memref<80x128xf32, #tpu.memory_space<vmem>>, vector<1x16xf32>,
        %get3A_938 = vector.shape_cast %get3A_937 : vector<1x16xf32> to vector<16xf32>
        %mul3A_939 = arith.mulf %get3A_938, %gather3A_930 : vector<16xf32>
        %swap3A_940 = arith.index_cast %add3A_934 : i32 to index
        %swap3A_941 = arith.constant 0 : index
        %swap3A_942 = tpu.vector_load %arg10[%swap3A_940, %swap3A_941] {strides = array<i32>} : memref<80x128xf32, #tpu.memory_space<vmem>>, vector<1x16xf32>,
        %swap3A_943 = vector.shape_cast %swap3A_942 : vector<1x16xf32> to vector<16xf32>
        %swap3A_944 = vector.shape_cast %mul3A_939 : vector<16xf32> to vector<1x16xf32>
        tpu.vector_store %arg10[%swap3A_940, %swap3A_941], %swap3A_944 {strides = array<i32>} : memref<80x128xf32, #tpu.memory_space<vmem>>, vector<1x16xf32>,
        %get3A_945 = arith.index_cast %add3A_934 : i32 to index
        %get3A_946 = arith.constant 16 : index
        %get3A_947 = tpu.vector_load %arg10[%get3A_945, %get3A_946] {strides = array<i32>} : memref<80x128xf32, #tpu.memory_space<vmem>>, vector<1x16xf32>,
        %get3A_948 = vector.shape_cast %get3A_947 : vector<1x16xf32> to vector<16xf32>
        %mul3A_949 = arith.mulf %get3A_948, %gather3A_930 : vector<16xf32>
        %swap3A_950 = arith.index_cast %add3A_934 : i32 to index
        %swap3A_951 = arith.constant 16 : index
        %swap3A_952 = tpu.vector_load %arg10[%swap3A_950, %swap3A_951] {strides = array<i32>} : memref<80x128xf32, #tpu.memory_space<vmem>>, vector<1x16xf32>,
        %swap3A_953 = vector.shape_cast %swap3A_952 : vector<1x16xf32> to vector<16xf32>
        %swap3A_954 = vector.shape_cast %mul3A_949 : vector<16xf32> to vector<1x16xf32>
        tpu.vector_store %arg10[%swap3A_950, %swap3A_951], %swap3A_954 {strides = array<i32>} : memref<80x128xf32, #tpu.memory_space<vmem>>, vector<1x16xf32>,
        %get3A_955 = arith.index_cast %add3A_934 : i32 to index
        %get3A_956 = arith.constant 32 : index
        %get3A_957 = tpu.vector_load %arg10[%get3A_955, %get3A_956] {strides = array<i32>} : memref<80x128xf32, #tpu.memory_space<vmem>>, vector<1x16xf32>,
        %get3A_958 = vector.shape_cast %get3A_957 : vector<1x16xf32> to vector<16xf32>
        %mul3A_959 = arith.mulf %get3A_958, %gather3A_930 : vector<16xf32>
        %swap3A_960 = arith.index_cast %add3A_934 : i32 to index
        %swap3A_961 = arith.constant 32 : index
        %swap3A_962 = tpu.vector_load %arg10[%swap3A_960, %swap3A_961] {strides = array<i32>} : memref<80x128xf32, #tpu.memory_space<vmem>>, vector<1x16xf32>,
        %swap3A_963 = vector.shape_cast %swap3A_962 : vector<1x16xf32> to vector<16xf32>
        %swap3A_964 = vector.shape_cast %mul3A_959 : vector<16xf32> to vector<1x16xf32>
        tpu.vector_store %arg10[%swap3A_960, %swap3A_961], %swap3A_964 {strides = array<i32>} : memref<80x128xf32, #tpu.memory_space<vmem>>, vector<1x16xf32>,
        %get3A_965 = arith.index_cast %add3A_934 : i32 to index
        %get3A_966 = arith.constant 48 : index
        %get3A_967 = tpu.vector_load %arg10[%get3A_965, %get3A_966] {strides = array<i32>} : memref<80x128xf32, #tpu.memory_space<vmem>>, vector<1x16xf32>,
        %get3A_968 = vector.shape_cast %get3A_967 : vector<1x16xf32> to vector<16xf32>
        %mul3A_969 = arith.mulf %get3A_968, %gather3A_930 : vector<16xf32>
        %swap3A_970 = arith.index_cast %add3A_934 : i32 to index
        %swap3A_971 = arith.constant 48 : index
        %swap3A_972 = tpu.vector_load %arg10[%swap3A_970, %swap3A_971] {strides = array<i32>} : memref<80x128xf32, #tpu.memory_space<vmem>>, vector<1x16xf32>,
        %swap3A_973 = vector.shape_cast %swap3A_972 : vector<1x16xf32> to vector<16xf32>
        %swap3A_974 = vector.shape_cast %mul3A_969 : vector<16xf32> to vector<1x16xf32>
        tpu.vector_store %arg10[%swap3A_970, %swap3A_971], %swap3A_974 {strides = array<i32>} : memref<80x128xf32, #tpu.memory_space<vmem>>, vector<1x16xf32>,
        %get3A_975 = arith.index_cast %add3A_934 : i32 to index
        %get3A_976 = arith.constant 64 : index
        %get3A_977 = tpu.vector_load %arg10[%get3A_975, %get3A_976] {strides = array<i32>} : memref<80x128xf32, #tpu.memory_space<vmem>>, vector<1x16xf32>,
        %get3A_978 = vector.shape_cast %get3A_977 : vector<1x16xf32> to vector<16xf32>
        %mul3A_979 = arith.mulf %get3A_978, %gather3A_930 : vector<16xf32>
        %swap3A_980 = arith.index_cast %add3A_934 : i32 to index
        %swap3A_981 = arith.constant 64 : index
        %swap3A_982 = tpu.vector_load %arg10[%swap3A_980, %swap3A_981] {strides = array<i32>} : memref<80x128xf32, #tpu.memory_space<vmem>>, vector<1x16xf32>,
        %swap3A_983 = vector.shape_cast %swap3A_982 : vector<1x16xf32> to vector<16xf32>
        %swap3A_984 = vector.shape_cast %mul3A_979 : vector<16xf32> to vector<1x16xf32>
        tpu.vector_store %arg10[%swap3A_980, %swap3A_981], %swap3A_984 {strides = array<i32>} : memref<80x128xf32, #tpu.memory_space<vmem>>, vector<1x16xf32>,
        %get3A_985 = arith.index_cast %add3A_934 : i32 to index
        %get3A_986 = arith.constant 80 : index
        %get3A_987 = tpu.vector_load %arg10[%get3A_985, %get3A_986] {strides = array<i32>} : memref<80x128xf32, #tpu.memory_space<vmem>>, vector<1x16xf32>,
        %get3A_988 = vector.shape_cast %get3A_987 : vector<1x16xf32> to vector<16xf32>
        %mul3A_989 = arith.mulf %get3A_988, %gather3A_930 : vector<16xf32>
        %swap3A_990 = arith.index_cast %add3A_934 : i32 to index
        %swap3A_991 = arith.constant 80 : index
        %swap3A_992 = tpu.vector_load %arg10[%swap3A_990, %swap3A_991] {strides = array<i32>} : memref<80x128xf32, #tpu.memory_space<vmem>>, vector<1x16xf32>,
        %swap3A_993 = vector.shape_cast %swap3A_992 : vector<1x16xf32> to vector<16xf32>
        %swap3A_994 = vector.shape_cast %mul3A_989 : vector<16xf32> to vector<1x16xf32>
        tpu.vector_store %arg10[%swap3A_990, %swap3A_991], %swap3A_994 {strides = array<i32>} : memref<80x128xf32, #tpu.memory_space<vmem>>, vector<1x16xf32>,
        %get3A_995 = arith.index_cast %add3A_934 : i32 to index
        %get3A_996 = arith.constant 96 : index
        %get3A_997 = tpu.vector_load %arg10[%get3A_995, %get3A_996] {strides = array<i32>} : memref<80x128xf32, #tpu.memory_space<vmem>>, vector<1x16xf32>,
        %get3A_998 = vector.shape_cast %get3A_997 : vector<1x16xf32> to vector<16xf32>
        %mul3A_999 = arith.mulf %get3A_998, %gather3A_930 : vector<16xf32>
        %swap3A_1000 = arith.index_cast %add3A_934 : i32 to index
        %swap3A_1001 = arith.constant 96 : index
        %swap3A_1002 = tpu.vector_load %arg10[%swap3A_1000, %swap3A_1001] {strides = array<i32>} : memref<80x128xf32, #tpu.memory_space<vmem>>, vector<1x16xf32>,
        %swap3A_1003 = vector.shape_cast %swap3A_1002 : vector<1x16xf32> to vector<16xf32>
        %swap3A_1004 = vector.shape_cast %mul3A_999 : vector<16xf32> to vector<1x16xf32>
        tpu.vector_store %arg10[%swap3A_1000, %swap3A_1001], %swap3A_1004 {strides = array<i32>} : memref<80x128xf32, #tpu.memory_space<vmem>>, vector<1x16xf32>,
        %get3A_1005 = arith.index_cast %add3A_934 : i32 to index
        %get3A_1006 = arith.constant 112 : index
        %get3A_1007 = tpu.vector_load %arg10[%get3A_1005, %get3A_1006] {strides = array<i32>} : memref<80x128xf32, #tpu.memory_space<vmem>>, vector<1x16xf32>,
        %get3A_1008 = vector.shape_cast %get3A_1007 : vector<1x16xf32> to vector<16xf32>
        %mul3A_1009 = arith.mulf %get3A_1008, %gather3A_930 : vector<16xf32>
        %swap3A_1010 = arith.index_cast %add3A_934 : i32 to index
        %swap3A_1011 = arith.constant 112 : index
        %swap3A_1012 = tpu.vector_load %arg10[%swap3A_1010, %swap3A_1011] {strides = array<i32>} : memref<80x128xf32, #tpu.memory_space<vmem>>, vector<1x16xf32>,
        %swap3A_1013 = vector.shape_cast %swap3A_1012 : vector<1x16xf32> to vector<16xf32>
        %swap3A_1014 = vector.shape_cast %mul3A_1009 : vector<16xf32> to vector<1x16xf32>
        tpu.vector_store %arg10[%swap3A_1010, %swap3A_1011], %swap3A_1014 {strides = array<i32>} : memref<80x128xf32, #tpu.memory_space<vmem>>, vector<1x16xf32>,
        %broadcast_in_dim3A_1015 = arith.constant 11 : i32
        %broadcast_in_dim3A_1016 = vector.broadcast %broadcast_in_dim3A_1015 : i32 to vector<16x1xi32>
        %gather3A_1017 = vector.shape_cast %broadcast_in_dim3A_1016 : vector<16x1xi32> to vector<16xi32>
        %gather3A_1018 = tpu.dynamic_gather %get3A_48[%gather3A_1017] in [0] : vector<16xf32>, vector<16xi32> -> vector<16xf32>
        %mul3A_1019 = arith.constant 16 : i32
        %mul3A_1020 = arith.muli %scan3A_44, %mul3A_1019 : i32
        %add3A_1021 = arith.constant 11 : i32
        %add3A_1022 = arith.addi %mul3A_1020, %add3A_1021 : i32
        %get3A_1023 = arith.index_cast %add3A_1022 : i32 to index
        %get3A_1024 = arith.constant 0 : index
        %get3A_1025 = tpu.vector_load %arg10[%get3A_1023, %get3A_1024] {strides = array<i32>} : memref<80x128xf32, #tpu.memory_space<vmem>>, vector<1x16xf32>,
        %get3A_1026 = vector.shape_cast %get3A_1025 : vector<1x16xf32> to vector<16xf32>
        %mul3A_1027 = arith.mulf %get3A_1026, %gather3A_1018 : vector<16xf32>
        %swap3A_1028 = arith.index_cast %add3A_1022 : i32 to index
        %swap3A_1029 = arith.constant 0 : index
        %swap3A_1030 = tpu.vector_load %arg10[%swap3A_1028, %swap3A_1029] {strides = array<i32>} : memref<80x128xf32, #tpu.memory_space<vmem>>, vector<1x16xf32>,
        %swap3A_1031 = vector.shape_cast %swap3A_1030 : vector<1x16xf32> to vector<16xf32>
        %swap3A_1032 = vector.shape_cast %mul3A_1027 : vector<16xf32> to vector<1x16xf32>
        tpu.vector_store %arg10[%swap3A_1028, %swap3A_1029], %swap3A_1032 {strides = array<i32>} : memref<80x128xf32, #tpu.memory_space<vmem>>, vector<1x16xf32>,
        %get3A_1033 = arith.index_cast %add3A_1022 : i32 to index
        %get3A_1034 = arith.constant 16 : index
        %get3A_1035 = tpu.vector_load %arg10[%get3A_1033, %get3A_1034] {strides = array<i32>} : memref<80x128xf32, #tpu.memory_space<vmem>>, vector<1x16xf32>,
        %get3A_1036 = vector.shape_cast %get3A_1035 : vector<1x16xf32> to vector<16xf32>
        %mul3A_1037 = arith.mulf %get3A_1036, %gather3A_1018 : vector<16xf32>
        %swap3A_1038 = arith.index_cast %add3A_1022 : i32 to index
        %swap3A_1039 = arith.constant 16 : index
        %swap3A_1040 = tpu.vector_load %arg10[%swap3A_1038, %swap3A_1039] {strides = array<i32>} : memref<80x128xf32, #tpu.memory_space<vmem>>, vector<1x16xf32>,
        %swap3A_1041 = vector.shape_cast %swap3A_1040 : vector<1x16xf32> to vector<16xf32>
        %swap3A_1042 = vector.shape_cast %mul3A_1037 : vector<16xf32> to vector<1x16xf32>
        tpu.vector_store %arg10[%swap3A_1038, %swap3A_1039], %swap3A_1042 {strides = array<i32>} : memref<80x128xf32, #tpu.memory_space<vmem>>, vector<1x16xf32>,
        %get3A_1043 = arith.index_cast %add3A_1022 : i32 to index
        %get3A_1044 = arith.constant 32 : index
        %get3A_1045 = tpu.vector_load %arg10[%get3A_1043, %get3A_1044] {strides = array<i32>} : memref<80x128xf32, #tpu.memory_space<vmem>>, vector<1x16xf32>,
        %get3A_1046 = vector.shape_cast %get3A_1045 : vector<1x16xf32> to vector<16xf32>
        %mul3A_1047 = arith.mulf %get3A_1046, %gather3A_1018 : vector<16xf32>
        %swap3A_1048 = arith.index_cast %add3A_1022 : i32 to index
        %swap3A_1049 = arith.constant 32 : index
        %swap3A_1050 = tpu.vector_load %arg10[%swap3A_1048, %swap3A_1049] {strides = array<i32>} : memref<80x128xf32, #tpu.memory_space<vmem>>, vector<1x16xf32>,
        %swap3A_1051 = vector.shape_cast %swap3A_1050 : vector<1x16xf32> to vector<16xf32>
        %swap3A_1052 = vector.shape_cast %mul3A_1047 : vector<16xf32> to vector<1x16xf32>
        tpu.vector_store %arg10[%swap3A_1048, %swap3A_1049], %swap3A_1052 {strides = array<i32>} : memref<80x128xf32, #tpu.memory_space<vmem>>, vector<1x16xf32>,
        %get3A_1053 = arith.index_cast %add3A_1022 : i32 to index
        %get3A_1054 = arith.constant 48 : index
        %get3A_1055 = tpu.vector_load %arg10[%get3A_1053, %get3A_1054] {strides = array<i32>} : memref<80x128xf32, #tpu.memory_space<vmem>>, vector<1x16xf32>,
        %get3A_1056 = vector.shape_cast %get3A_1055 : vector<1x16xf32> to vector<16xf32>
        %mul3A_1057 = arith.mulf %get3A_1056, %gather3A_1018 : vector<16xf32>
        %swap3A_1058 = arith.index_cast %add3A_1022 : i32 to index
        %swap3A_1059 = arith.constant 48 : index
        %swap3A_1060 = tpu.vector_load %arg10[%swap3A_1058, %swap3A_1059] {strides = array<i32>} : memref<80x128xf32, #tpu.memory_space<vmem>>, vector<1x16xf32>,
        %swap3A_1061 = vector.shape_cast %swap3A_1060 : vector<1x16xf32> to vector<16xf32>
        %swap3A_1062 = vector.shape_cast %mul3A_1057 : vector<16xf32> to vector<1x16xf32>
        tpu.vector_store %arg10[%swap3A_1058, %swap3A_1059], %swap3A_1062 {strides = array<i32>} : memref<80x128xf32, #tpu.memory_space<vmem>>, vector<1x16xf32>,
        %get3A_1063 = arith.index_cast %add3A_1022 : i32 to index
        %get3A_1064 = arith.constant 64 : index
        %get3A_1065 = tpu.vector_load %arg10[%get3A_1063, %get3A_1064] {strides = array<i32>} : memref<80x128xf32, #tpu.memory_space<vmem>>, vector<1x16xf32>,
        %get3A_1066 = vector.shape_cast %get3A_1065 : vector<1x16xf32> to vector<16xf32>
        %mul3A_1067 = arith.mulf %get3A_1066, %gather3A_1018 : vector<16xf32>
        %swap3A_1068 = arith.index_cast %add3A_1022 : i32 to index
        %swap3A_1069 = arith.constant 64 : index
        %swap3A_1070 = tpu.vector_load %arg10[%swap3A_1068, %swap3A_1069] {strides = array<i32>} : memref<80x128xf32, #tpu.memory_space<vmem>>, vector<1x16xf32>,
        %swap3A_1071 = vector.shape_cast %swap3A_1070 : vector<1x16xf32> to vector<16xf32>
        %swap3A_1072 = vector.shape_cast %mul3A_1067 : vector<16xf32> to vector<1x16xf32>
        tpu.vector_store %arg10[%swap3A_1068, %swap3A_1069], %swap3A_1072 {strides = array<i32>} : memref<80x128xf32, #tpu.memory_space<vmem>>, vector<1x16xf32>,
        %get3A_1073 = arith.index_cast %add3A_1022 : i32 to index
        %get3A_1074 = arith.constant 80 : index
        %get3A_1075 = tpu.vector_load %arg10[%get3A_1073, %get3A_1074] {strides = array<i32>} : memref<80x128xf32, #tpu.memory_space<vmem>>, vector<1x16xf32>,
        %get3A_1076 = vector.shape_cast %get3A_1075 : vector<1x16xf32> to vector<16xf32>
        %mul3A_1077 = arith.mulf %get3A_1076, %gather3A_1018 : vector<16xf32>
        %swap3A_1078 = arith.index_cast %add3A_1022 : i32 to index
        %swap3A_1079 = arith.constant 80 : index
        %swap3A_1080 = tpu.vector_load %arg10[%swap3A_1078, %swap3A_1079] {strides = array<i32>} : memref<80x128xf32, #tpu.memory_space<vmem>>, vector<1x16xf32>,
        %swap3A_1081 = vector.shape_cast %swap3A_1080 : vector<1x16xf32> to vector<16xf32>
        %swap3A_1082 = vector.shape_cast %mul3A_1077 : vector<16xf32> to vector<1x16xf32>
        tpu.vector_store %arg10[%swap3A_1078, %swap3A_1079], %swap3A_1082 {strides = array<i32>} : memref<80x128xf32, #tpu.memory_space<vmem>>, vector<1x16xf32>,
        %get3A_1083 = arith.index_cast %add3A_1022 : i32 to index
        %get3A_1084 = arith.constant 96 : index
        %get3A_1085 = tpu.vector_load %arg10[%get3A_1083, %get3A_1084] {strides = array<i32>} : memref<80x128xf32, #tpu.memory_space<vmem>>, vector<1x16xf32>,
        %get3A_1086 = vector.shape_cast %get3A_1085 : vector<1x16xf32> to vector<16xf32>
        %mul3A_1087 = arith.mulf %get3A_1086, %gather3A_1018 : vector<16xf32>
        %swap3A_1088 = arith.index_cast %add3A_1022 : i32 to index
        %swap3A_1089 = arith.constant 96 : index
        %swap3A_1090 = tpu.vector_load %arg10[%swap3A_1088, %swap3A_1089] {strides = array<i32>} : memref<80x128xf32, #tpu.memory_space<vmem>>, vector<1x16xf32>,
        %swap3A_1091 = vector.shape_cast %swap3A_1090 : vector<1x16xf32> to vector<16xf32>
        %swap3A_1092 = vector.shape_cast %mul3A_1087 : vector<16xf32> to vector<1x16xf32>
        tpu.vector_store %arg10[%swap3A_1088, %swap3A_1089], %swap3A_1092 {strides = array<i32>} : memref<80x128xf32, #tpu.memory_space<vmem>>, vector<1x16xf32>,
        %get3A_1093 = arith.index_cast %add3A_1022 : i32 to index
        %get3A_1094 = arith.constant 112 : index
        %get3A_1095 = tpu.vector_load %arg10[%get3A_1093, %get3A_1094] {strides = array<i32>} : memref<80x128xf32, #tpu.memory_space<vmem>>, vector<1x16xf32>,
        %get3A_1096 = vector.shape_cast %get3A_1095 : vector<1x16xf32> to vector<16xf32>
        %mul3A_1097 = arith.mulf %get3A_1096, %gather3A_1018 : vector<16xf32>
        %swap3A_1098 = arith.index_cast %add3A_1022 : i32 to index
        %swap3A_1099 = arith.constant 112 : index
        %swap3A_1100 = tpu.vector_load %arg10[%swap3A_1098, %swap3A_1099] {strides = array<i32>} : memref<80x128xf32, #tpu.memory_space<vmem>>, vector<1x16xf32>,
        %swap3A_1101 = vector.shape_cast %swap3A_1100 : vector<1x16xf32> to vector<16xf32>
        %swap3A_1102 = vector.shape_cast %mul3A_1097 : vector<16xf32> to vector<1x16xf32>
        tpu.vector_store %arg10[%swap3A_1098, %swap3A_1099], %swap3A_1102 {strides = array<i32>} : memref<80x128xf32, #tpu.memory_space<vmem>>, vector<1x16xf32>,
        %broadcast_in_dim3A_1103 = arith.constant 12 : i32
        %broadcast_in_dim3A_1104 = vector.broadcast %broadcast_in_dim3A_1103 : i32 to vector<16x1xi32>
        %gather3A_1105 = vector.shape_cast %broadcast_in_dim3A_1104 : vector<16x1xi32> to vector<16xi32>
        %gather3A_1106 = tpu.dynamic_gather %get3A_48[%gather3A_1105] in [0] : vector<16xf32>, vector<16xi32> -> vector<16xf32>
        %mul3A_1107 = arith.constant 16 : i32
        %mul3A_1108 = arith.muli %scan3A_44, %mul3A_1107 : i32
        %add3A_1109 = arith.constant 12 : i32
        %add3A_1110 = arith.addi %mul3A_1108, %add3A_1109 : i32
        %get3A_1111 = arith.index_cast %add3A_1110 : i32 to index
        %get3A_1112 = arith.constant 0 : index
        %get3A_1113 = tpu.vector_load %arg10[%get3A_1111, %get3A_1112] {strides = array<i32>} : memref<80x128xf32, #tpu.memory_space<vmem>>, vector<1x16xf32>,
        %get3A_1114 = vector.shape_cast %get3A_1113 : vector<1x16xf32> to vector<16xf32>
        %mul3A_1115 = arith.mulf %get3A_1114, %gather3A_1106 : vector<16xf32>
        %swap3A_1116 = arith.index_cast %add3A_1110 : i32 to index
        %swap3A_1117 = arith.constant 0 : index
        %swap3A_1118 = tpu.vector_load %arg10[%swap3A_1116, %swap3A_1117] {strides = array<i32>} : memref<80x128xf32, #tpu.memory_space<vmem>>, vector<1x16xf32>,
        %swap3A_1119 = vector.shape_cast %swap3A_1118 : vector<1x16xf32> to vector<16xf32>
        %swap3A_1120 = vector.shape_cast %mul3A_1115 : vector<16xf32> to vector<1x16xf32>
        tpu.vector_store %arg10[%swap3A_1116, %swap3A_1117], %swap3A_1120 {strides = array<i32>} : memref<80x128xf32, #tpu.memory_space<vmem>>, vector<1x16xf32>,
        %get3A_1121 = arith.index_cast %add3A_1110 : i32 to index
        %get3A_1122 = arith.constant 16 : index
        %get3A_1123 = tpu.vector_load %arg10[%get3A_1121, %get3A_1122] {strides = array<i32>} : memref<80x128xf32, #tpu.memory_space<vmem>>, vector<1x16xf32>,
        %get3A_1124 = vector.shape_cast %get3A_1123 : vector<1x16xf32> to vector<16xf32>
        %mul3A_1125 = arith.mulf %get3A_1124, %gather3A_1106 : vector<16xf32>
        %swap3A_1126 = arith.index_cast %add3A_1110 : i32 to index
        %swap3A_1127 = arith.constant 16 : index
        %swap3A_1128 = tpu.vector_load %arg10[%swap3A_1126, %swap3A_1127] {strides = array<i32>} : memref<80x128xf32, #tpu.memory_space<vmem>>, vector<1x16xf32>,
        %swap3A_1129 = vector.shape_cast %swap3A_1128 : vector<1x16xf32> to vector<16xf32>
        %swap3A_1130 = vector.shape_cast %mul3A_1125 : vector<16xf32> to vector<1x16xf32>
        tpu.vector_store %arg10[%swap3A_1126, %swap3A_1127], %swap3A_1130 {strides = array<i32>} : memref<80x128xf32, #tpu.memory_space<vmem>>, vector<1x16xf32>,
        %get3A_1131 = arith.index_cast %add3A_1110 : i32 to index
        %get3A_1132 = arith.constant 32 : index
        %get3A_1133 = tpu.vector_load %arg10[%get3A_1131, %get3A_1132] {strides = array<i32>} : memref<80x128xf32, #tpu.memory_space<vmem>>, vector<1x16xf32>,
        %get3A_1134 = vector.shape_cast %get3A_1133 : vector<1x16xf32> to vector<16xf32>
        %mul3A_1135 = arith.mulf %get3A_1134, %gather3A_1106 : vector<16xf32>
        %swap3A_1136 = arith.index_cast %add3A_1110 : i32 to index
        %swap3A_1137 = arith.constant 32 : index
        %swap3A_1138 = tpu.vector_load %arg10[%swap3A_1136, %swap3A_1137] {strides = array<i32>} : memref<80x128xf32, #tpu.memory_space<vmem>>, vector<1x16xf32>,
        %swap3A_1139 = vector.shape_cast %swap3A_1138 : vector<1x16xf32> to vector<16xf32>
        %swap3A_1140 = vector.shape_cast %mul3A_1135 : vector<16xf32> to vector<1x16xf32>
        tpu.vector_store %arg10[%swap3A_1136, %swap3A_1137], %swap3A_1140 {strides = array<i32>} : memref<80x128xf32, #tpu.memory_space<vmem>>, vector<1x16xf32>,
        %get3A_1141 = arith.index_cast %add3A_1110 : i32 to index
        %get3A_1142 = arith.constant 48 : index
        %get3A_1143 = tpu.vector_load %arg10[%get3A_1141, %get3A_1142] {strides = array<i32>} : memref<80x128xf32, #tpu.memory_space<vmem>>, vector<1x16xf32>,
        %get3A_1144 = vector.shape_cast %get3A_1143 : vector<1x16xf32> to vector<16xf32>
        %mul3A_1145 = arith.mulf %get3A_1144, %gather3A_1106 : vector<16xf32>
        %swap3A_1146 = arith.index_cast %add3A_1110 : i32 to index
        %swap3A_1147 = arith.constant 48 : index
        %swap3A_1148 = tpu.vector_load %arg10[%swap3A_1146, %swap3A_1147] {strides = array<i32>} : memref<80x128xf32, #tpu.memory_space<vmem>>, vector<1x16xf32>,
        %swap3A_1149 = vector.shape_cast %swap3A_1148 : vector<1x16xf32> to vector<16xf32>
        %swap3A_1150 = vector.shape_cast %mul3A_1145 : vector<16xf32> to vector<1x16xf32>
        tpu.vector_store %arg10[%swap3A_1146, %swap3A_1147], %swap3A_1150 {strides = array<i32>} : memref<80x128xf32, #tpu.memory_space<vmem>>, vector<1x16xf32>,
        %get3A_1151 = arith.index_cast %add3A_1110 : i32 to index
        %get3A_1152 = arith.constant 64 : index
        %get3A_1153 = tpu.vector_load %arg10[%get3A_1151, %get3A_1152] {strides = array<i32>} : memref<80x128xf32, #tpu.memory_space<vmem>>, vector<1x16xf32>,
        %get3A_1154 = vector.shape_cast %get3A_1153 : vector<1x16xf32> to vector<16xf32>
        %mul3A_1155 = arith.mulf %get3A_1154, %gather3A_1106 : vector<16xf32>
        %swap3A_1156 = arith.index_cast %add3A_1110 : i32 to index
        %swap3A_1157 = arith.constant 64 : index
        %swap3A_1158 = tpu.vector_load %arg10[%swap3A_1156, %swap3A_1157] {strides = array<i32>} : memref<80x128xf32, #tpu.memory_space<vmem>>, vector<1x16xf32>,
        %swap3A_1159 = vector.shape_cast %swap3A_1158 : vector<1x16xf32> to vector<16xf32>
        %swap3A_1160 = vector.shape_cast %mul3A_1155 : vector<16xf32> to vector<1x16xf32>
        tpu.vector_store %arg10[%swap3A_1156, %swap3A_1157], %swap3A_1160 {strides = array<i32>} : memref<80x128xf32, #tpu.memory_space<vmem>>, vector<1x16xf32>,
        %get3A_1161 = arith.index_cast %add3A_1110 : i32 to index
        %get3A_1162 = arith.constant 80 : index
        %get3A_1163 = tpu.vector_load %arg10[%get3A_1161, %get3A_1162] {strides = array<i32>} : memref<80x128xf32, #tpu.memory_space<vmem>>, vector<1x16xf32>,
        %get3A_1164 = vector.shape_cast %get3A_1163 : vector<1x16xf32> to vector<16xf32>
        %mul3A_1165 = arith.mulf %get3A_1164, %gather3A_1106 : vector<16xf32>
        %swap3A_1166 = arith.index_cast %add3A_1110 : i32 to index
        %swap3A_1167 = arith.constant 80 : index
        %swap3A_1168 = tpu.vector_load %arg10[%swap3A_1166, %swap3A_1167] {strides = array<i32>} : memref<80x128xf32, #tpu.memory_space<vmem>>, vector<1x16xf32>,
        %swap3A_1169 = vector.shape_cast %swap3A_1168 : vector<1x16xf32> to vector<16xf32>
        %swap3A_1170 = vector.shape_cast %mul3A_1165 : vector<16xf32> to vector<1x16xf32>
        tpu.vector_store %arg10[%swap3A_1166, %swap3A_1167], %swap3A_1170 {strides = array<i32>} : memref<80x128xf32, #tpu.memory_space<vmem>>, vector<1x16xf32>,
        %get3A_1171 = arith.index_cast %add3A_1110 : i32 to index
        %get3A_1172 = arith.constant 96 : index
        %get3A_1173 = tpu.vector_load %arg10[%get3A_1171, %get3A_1172] {strides = array<i32>} : memref<80x128xf32, #tpu.memory_space<vmem>>, vector<1x16xf32>,
        %get3A_1174 = vector.shape_cast %get3A_1173 : vector<1x16xf32> to vector<16xf32>
        %mul3A_1175 = arith.mulf %get3A_1174, %gather3A_1106 : vector<16xf32>
        %swap3A_1176 = arith.index_cast %add3A_1110 : i32 to index
        %swap3A_1177 = arith.constant 96 : index
        %swap3A_1178 = tpu.vector_load %arg10[%swap3A_1176, %swap3A_1177] {strides = array<i32>} : memref<80x128xf32, #tpu.memory_space<vmem>>, vector<1x16xf32>,
        %swap3A_1179 = vector.shape_cast %swap3A_1178 : vector<1x16xf32> to vector<16xf32>
        %swap3A_1180 = vector.shape_cast %mul3A_1175 : vector<16xf32> to vector<1x16xf32>
        tpu.vector_store %arg10[%swap3A_1176, %swap3A_1177], %swap3A_1180 {strides = array<i32>} : memref<80x128xf32, #tpu.memory_space<vmem>>, vector<1x16xf32>,
        %get3A_1181 = arith.index_cast %add3A_1110 : i32 to index
        %get3A_1182 = arith.constant 112 : index
        %get3A_1183 = tpu.vector_load %arg10[%get3A_1181, %get3A_1182] {strides = array<i32>} : memref<80x128xf32, #tpu.memory_space<vmem>>, vector<1x16xf32>,
        %get3A_1184 = vector.shape_cast %get3A_1183 : vector<1x16xf32> to vector<16xf32>
        %mul3A_1185 = arith.mulf %get3A_1184, %gather3A_1106 : vector<16xf32>
        %swap3A_1186 = arith.index_cast %add3A_1110 : i32 to index
        %swap3A_1187 = arith.constant 112 : index
        %swap3A_1188 = tpu.vector_load %arg10[%swap3A_1186, %swap3A_1187] {strides = array<i32>} : memref<80x128xf32, #tpu.memory_space<vmem>>, vector<1x16xf32>,
        %swap3A_1189 = vector.shape_cast %swap3A_1188 : vector<1x16xf32> to vector<16xf32>
        %swap3A_1190 = vector.shape_cast %mul3A_1185 : vector<16xf32> to vector<1x16xf32>
        tpu.vector_store %arg10[%swap3A_1186, %swap3A_1187], %swap3A_1190 {strides = array<i32>} : memref<80x128xf32, #tpu.memory_space<vmem>>, vector<1x16xf32>,
        %broadcast_in_dim3A_1191 = arith.constant 13 : i32
        %broadcast_in_dim3A_1192 = vector.broadcast %broadcast_in_dim3A_1191 : i32 to vector<16x1xi32>
        %gather3A_1193 = vector.shape_cast %broadcast_in_dim3A_1192 : vector<16x1xi32> to vector<16xi32>
        %gather3A_1194 = tpu.dynamic_gather %get3A_48[%gather3A_1193] in [0] : vector<16xf32>, vector<16xi32> -> vector<16xf32>
        %mul3A_1195 = arith.constant 16 : i32
        %mul3A_1196 = arith.muli %scan3A_44, %mul3A_1195 : i32
        %add3A_1197 = arith.constant 13 : i32
        %add3A_1198 = arith.addi %mul3A_1196, %add3A_1197 : i32
        %get3A_1199 = arith.index_cast %add3A_1198 : i32 to index
        %get3A_1200 = arith.constant 0 : index
        %get3A_1201 = tpu.vector_load %arg10[%get3A_1199, %get3A_1200] {strides = array<i32>} : memref<80x128xf32, #tpu.memory_space<vmem>>, vector<1x16xf32>,
        %get3A_1202 = vector.shape_cast %get3A_1201 : vector<1x16xf32> to vector<16xf32>
        %mul3A_1203 = arith.mulf %get3A_1202, %gather3A_1194 : vector<16xf32>
        %swap3A_1204 = arith.index_cast %add3A_1198 : i32 to index
        %swap3A_1205 = arith.constant 0 : index
        %swap3A_1206 = tpu.vector_load %arg10[%swap3A_1204, %swap3A_1205] {strides = array<i32>} : memref<80x128xf32, #tpu.memory_space<vmem>>, vector<1x16xf32>,
        %swap3A_1207 = vector.shape_cast %swap3A_1206 : vector<1x16xf32> to vector<16xf32>
        %swap3A_1208 = vector.shape_cast %mul3A_1203 : vector<16xf32> to vector<1x16xf32>
        tpu.vector_store %arg10[%swap3A_1204, %swap3A_1205], %swap3A_1208 {strides = array<i32>} : memref<80x128xf32, #tpu.memory_space<vmem>>, vector<1x16xf32>,
        %get3A_1209 = arith.index_cast %add3A_1198 : i32 to index
        %get3A_1210 = arith.constant 16 : index
        %get3A_1211 = tpu.vector_load %arg10[%get3A_1209, %get3A_1210] {strides = array<i32>} : memref<80x128xf32, #tpu.memory_space<vmem>>, vector<1x16xf32>,
        %get3A_1212 = vector.shape_cast %get3A_1211 : vector<1x16xf32> to vector<16xf32>
        %mul3A_1213 = arith.mulf %get3A_1212, %gather3A_1194 : vector<16xf32>
        %swap3A_1214 = arith.index_cast %add3A_1198 : i32 to index
        %swap3A_1215 = arith.constant 16 : index
        %swap3A_1216 = tpu.vector_load %arg10[%swap3A_1214, %swap3A_1215] {strides = array<i32>} : memref<80x128xf32, #tpu.memory_space<vmem>>, vector<1x16xf32>,
        %swap3A_1217 = vector.shape_cast %swap3A_1216 : vector<1x16xf32> to vector<16xf32>
        %swap3A_1218 = vector.shape_cast %mul3A_1213 : vector<16xf32> to vector<1x16xf32>
        tpu.vector_store %arg10[%swap3A_1214, %swap3A_1215], %swap3A_1218 {strides = array<i32>} : memref<80x128xf32, #tpu.memory_space<vmem>>, vector<1x16xf32>,
        %get3A_1219 = arith.index_cast %add3A_1198 : i32 to index
        %get3A_1220 = arith.constant 32 : index
        %get3A_1221 = tpu.vector_load %arg10[%get3A_1219, %get3A_1220] {strides = array<i32>} : memref<80x128xf32, #tpu.memory_space<vmem>>, vector<1x16xf32>,
        %get3A_1222 = vector.shape_cast %get3A_1221 : vector<1x16xf32> to vector<16xf32>
        %mul3A_1223 = arith.mulf %get3A_1222, %gather3A_1194 : vector<16xf32>
        %swap3A_1224 = arith.index_cast %add3A_1198 : i32 to index
        %swap3A_1225 = arith.constant 32 : index
        %swap3A_1226 = tpu.vector_load %arg10[%swap3A_1224, %swap3A_1225] {strides = array<i32>} : memref<80x128xf32, #tpu.memory_space<vmem>>, vector<1x16xf32>,
        %swap3A_1227 = vector.shape_cast %swap3A_1226 : vector<1x16xf32> to vector<16xf32>
        %swap3A_1228 = vector.shape_cast %mul3A_1223 : vector<16xf32> to vector<1x16xf32>
        tpu.vector_store %arg10[%swap3A_1224, %swap3A_1225], %swap3A_1228 {strides = array<i32>} : memref<80x128xf32, #tpu.memory_space<vmem>>, vector<1x16xf32>,
        %get3A_1229 = arith.index_cast %add3A_1198 : i32 to index
        %get3A_1230 = arith.constant 48 : index
        %get3A_1231 = tpu.vector_load %arg10[%get3A_1229, %get3A_1230] {strides = array<i32>} : memref<80x128xf32, #tpu.memory_space<vmem>>, vector<1x16xf32>,
        %get3A_1232 = vector.shape_cast %get3A_1231 : vector<1x16xf32> to vector<16xf32>
        %mul3A_1233 = arith.mulf %get3A_1232, %gather3A_1194 : vector<16xf32>
        %swap3A_1234 = arith.index_cast %add3A_1198 : i32 to index
        %swap3A_1235 = arith.constant 48 : index
        %swap3A_1236 = tpu.vector_load %arg10[%swap3A_1234, %swap3A_1235] {strides = array<i32>} : memref<80x128xf32, #tpu.memory_space<vmem>>, vector<1x16xf32>,
        %swap3A_1237 = vector.shape_cast %swap3A_1236 : vector<1x16xf32> to vector<16xf32>
        %swap3A_1238 = vector.shape_cast %mul3A_1233 : vector<16xf32> to vector<1x16xf32>
        tpu.vector_store %arg10[%swap3A_1234, %swap3A_1235], %swap3A_1238 {strides = array<i32>} : memref<80x128xf32, #tpu.memory_space<vmem>>, vector<1x16xf32>,
        %get3A_1239 = arith.index_cast %add3A_1198 : i32 to index
        %get3A_1240 = arith.constant 64 : index
        %get3A_1241 = tpu.vector_load %arg10[%get3A_1239, %get3A_1240] {strides = array<i32>} : memref<80x128xf32, #tpu.memory_space<vmem>>, vector<1x16xf32>,
        %get3A_1242 = vector.shape_cast %get3A_1241 : vector<1x16xf32> to vector<16xf32>
        %mul3A_1243 = arith.mulf %get3A_1242, %gather3A_1194 : vector<16xf32>
        %swap3A_1244 = arith.index_cast %add3A_1198 : i32 to index
        %swap3A_1245 = arith.constant 64 : index
        %swap3A_1246 = tpu.vector_load %arg10[%swap3A_1244, %swap3A_1245] {strides = array<i32>} : memref<80x128xf32, #tpu.memory_space<vmem>>, vector<1x16xf32>,
        %swap3A_1247 = vector.shape_cast %swap3A_1246 : vector<1x16xf32> to vector<16xf32>
        %swap3A_1248 = vector.shape_cast %mul3A_1243 : vector<16xf32> to vector<1x16xf32>
        tpu.vector_store %arg10[%swap3A_1244, %swap3A_1245], %swap3A_1248 {strides = array<i32>} : memref<80x128xf32, #tpu.memory_space<vmem>>, vector<1x16xf32>,
        %get3A_1249 = arith.index_cast %add3A_1198 : i32 to index
        %get3A_1250 = arith.constant 80 : index
        %get3A_1251 = tpu.vector_load %arg10[%get3A_1249, %get3A_1250] {strides = array<i32>} : memref<80x128xf32, #tpu.memory_space<vmem>>, vector<1x16xf32>,
        %get3A_1252 = vector.shape_cast %get3A_1251 : vector<1x16xf32> to vector<16xf32>
        %mul3A_1253 = arith.mulf %get3A_1252, %gather3A_1194 : vector<16xf32>
        %swap3A_1254 = arith.index_cast %add3A_1198 : i32 to index
        %swap3A_1255 = arith.constant 80 : index
        %swap3A_1256 = tpu.vector_load %arg10[%swap3A_1254, %swap3A_1255] {strides = array<i32>} : memref<80x128xf32, #tpu.memory_space<vmem>>, vector<1x16xf32>,
        %swap3A_1257 = vector.shape_cast %swap3A_1256 : vector<1x16xf32> to vector<16xf32>
        %swap3A_1258 = vector.shape_cast %mul3A_1253 : vector<16xf32> to vector<1x16xf32>
        tpu.vector_store %arg10[%swap3A_1254, %swap3A_1255], %swap3A_1258 {strides = array<i32>} : memref<80x128xf32, #tpu.memory_space<vmem>>, vector<1x16xf32>,
        %get3A_1259 = arith.index_cast %add3A_1198 : i32 to index
        %get3A_1260 = arith.constant 96 : index
        %get3A_1261 = tpu.vector_load %arg10[%get3A_1259, %get3A_1260] {strides = array<i32>} : memref<80x128xf32, #tpu.memory_space<vmem>>, vector<1x16xf32>,
        %get3A_1262 = vector.shape_cast %get3A_1261 : vector<1x16xf32> to vector<16xf32>
        %mul3A_1263 = arith.mulf %get3A_1262, %gather3A_1194 : vector<16xf32>
        %swap3A_1264 = arith.index_cast %add3A_1198 : i32 to index
        %swap3A_1265 = arith.constant 96 : index
        %swap3A_1266 = tpu.vector_load %arg10[%swap3A_1264, %swap3A_1265] {strides = array<i32>} : memref<80x128xf32, #tpu.memory_space<vmem>>, vector<1x16xf32>,
        %swap3A_1267 = vector.shape_cast %swap3A_1266 : vector<1x16xf32> to vector<16xf32>
        %swap3A_1268 = vector.shape_cast %mul3A_1263 : vector<16xf32> to vector<1x16xf32>
        tpu.vector_store %arg10[%swap3A_1264, %swap3A_1265], %swap3A_1268 {strides = array<i32>} : memref<80x128xf32, #tpu.memory_space<vmem>>, vector<1x16xf32>,
        %get3A_1269 = arith.index_cast %add3A_1198 : i32 to index
        %get3A_1270 = arith.constant 112 : index
        %get3A_1271 = tpu.vector_load %arg10[%get3A_1269, %get3A_1270] {strides = array<i32>} : memref<80x128xf32, #tpu.memory_space<vmem>>, vector<1x16xf32>,
        %get3A_1272 = vector.shape_cast %get3A_1271 : vector<1x16xf32> to vector<16xf32>
        %mul3A_1273 = arith.mulf %get3A_1272, %gather3A_1194 : vector<16xf32>
        %swap3A_1274 = arith.index_cast %add3A_1198 : i32 to index
        %swap3A_1275 = arith.constant 112 : index
        %swap3A_1276 = tpu.vector_load %arg10[%swap3A_1274, %swap3A_1275] {strides = array<i32>} : memref<80x128xf32, #tpu.memory_space<vmem>>, vector<1x16xf32>,
        %swap3A_1277 = vector.shape_cast %swap3A_1276 : vector<1x16xf32> to vector<16xf32>
        %swap3A_1278 = vector.shape_cast %mul3A_1273 : vector<16xf32> to vector<1x16xf32>
        tpu.vector_store %arg10[%swap3A_1274, %swap3A_1275], %swap3A_1278 {strides = array<i32>} : memref<80x128xf32, #tpu.memory_space<vmem>>, vector<1x16xf32>,
        %broadcast_in_dim3A_1279 = arith.constant 14 : i32
        %broadcast_in_dim3A_1280 = vector.broadcast %broadcast_in_dim3A_1279 : i32 to vector<16x1xi32>
        %gather3A_1281 = vector.shape_cast %broadcast_in_dim3A_1280 : vector<16x1xi32> to vector<16xi32>
        %gather3A_1282 = tpu.dynamic_gather %get3A_48[%gather3A_1281] in [0] : vector<16xf32>, vector<16xi32> -> vector<16xf32>
        %mul3A_1283 = arith.constant 16 : i32
        %mul3A_1284 = arith.muli %scan3A_44, %mul3A_1283 : i32
        %add3A_1285 = arith.constant 14 : i32
        %add3A_1286 = arith.addi %mul3A_1284, %add3A_1285 : i32
        %get3A_1287 = arith.index_cast %add3A_1286 : i32 to index
        %get3A_1288 = arith.constant 0 : index
        %get3A_1289 = tpu.vector_load %arg10[%get3A_1287, %get3A_1288] {strides = array<i32>} : memref<80x128xf32, #tpu.memory_space<vmem>>, vector<1x16xf32>,
        %get3A_1290 = vector.shape_cast %get3A_1289 : vector<1x16xf32> to vector<16xf32>
        %mul3A_1291 = arith.mulf %get3A_1290, %gather3A_1282 : vector<16xf32>
        %swap3A_1292 = arith.index_cast %add3A_1286 : i32 to index
        %swap3A_1293 = arith.constant 0 : index
        %swap3A_1294 = tpu.vector_load %arg10[%swap3A_1292, %swap3A_1293] {strides = array<i32>} : memref<80x128xf32, #tpu.memory_space<vmem>>, vector<1x16xf32>,
        %swap3A_1295 = vector.shape_cast %swap3A_1294 : vector<1x16xf32> to vector<16xf32>
        %swap3A_1296 = vector.shape_cast %mul3A_1291 : vector<16xf32> to vector<1x16xf32>
        tpu.vector_store %arg10[%swap3A_1292, %swap3A_1293], %swap3A_1296 {strides = array<i32>} : memref<80x128xf32, #tpu.memory_space<vmem>>, vector<1x16xf32>,
        %get3A_1297 = arith.index_cast %add3A_1286 : i32 to index
        %get3A_1298 = arith.constant 16 : index
        %get3A_1299 = tpu.vector_load %arg10[%get3A_1297, %get3A_1298] {strides = array<i32>} : memref<80x128xf32, #tpu.memory_space<vmem>>, vector<1x16xf32>,
        %get3A_1300 = vector.shape_cast %get3A_1299 : vector<1x16xf32> to vector<16xf32>
        %mul3A_1301 = arith.mulf %get3A_1300, %gather3A_1282 : vector<16xf32>
        %swap3A_1302 = arith.index_cast %add3A_1286 : i32 to index
        %swap3A_1303 = arith.constant 16 : index
        %swap3A_1304 = tpu.vector_load %arg10[%swap3A_1302, %swap3A_1303] {strides = array<i32>} : memref<80x128xf32, #tpu.memory_space<vmem>>, vector<1x16xf32>,
        %swap3A_1305 = vector.shape_cast %swap3A_1304 : vector<1x16xf32> to vector<16xf32>
        %swap3A_1306 = vector.shape_cast %mul3A_1301 : vector<16xf32> to vector<1x16xf32>
        tpu.vector_store %arg10[%swap3A_1302, %swap3A_1303], %swap3A_1306 {strides = array<i32>} : memref<80x128xf32, #tpu.memory_space<vmem>>, vector<1x16xf32>,
        %get3A_1307 = arith.index_cast %add3A_1286 : i32 to index
        %get3A_1308 = arith.constant 32 : index
        %get3A_1309 = tpu.vector_load %arg10[%get3A_1307, %get3A_1308] {strides = array<i32>} : memref<80x128xf32, #tpu.memory_space<vmem>>, vector<1x16xf32>,
        %get3A_1310 = vector.shape_cast %get3A_1309 : vector<1x16xf32> to vector<16xf32>
        %mul3A_1311 = arith.mulf %get3A_1310, %gather3A_1282 : vector<16xf32>
        %swap3A_1312 = arith.index_cast %add3A_1286 : i32 to index
        %swap3A_1313 = arith.constant 32 : index
        %swap3A_1314 = tpu.vector_load %arg10[%swap3A_1312, %swap3A_1313] {strides = array<i32>} : memref<80x128xf32, #tpu.memory_space<vmem>>, vector<1x16xf32>,
        %swap3A_1315 = vector.shape_cast %swap3A_1314 : vector<1x16xf32> to vector<16xf32>
        %swap3A_1316 = vector.shape_cast %mul3A_1311 : vector<16xf32> to vector<1x16xf32>
        tpu.vector_store %arg10[%swap3A_1312, %swap3A_1313], %swap3A_1316 {strides = array<i32>} : memref<80x128xf32, #tpu.memory_space<vmem>>, vector<1x16xf32>,
        %get3A_1317 = arith.index_cast %add3A_1286 : i32 to index
        %get3A_1318 = arith.constant 48 : index
        %get3A_1319 = tpu.vector_load %arg10[%get3A_1317, %get3A_1318] {strides = array<i32>} : memref<80x128xf32, #tpu.memory_space<vmem>>, vector<1x16xf32>,
        %get3A_1320 = vector.shape_cast %get3A_1319 : vector<1x16xf32> to vector<16xf32>
        %mul3A_1321 = arith.mulf %get3A_1320, %gather3A_1282 : vector<16xf32>
        %swap3A_1322 = arith.index_cast %add3A_1286 : i32 to index
        %swap3A_1323 = arith.constant 48 : index
        %swap3A_1324 = tpu.vector_load %arg10[%swap3A_1322, %swap3A_1323] {strides = array<i32>} : memref<80x128xf32, #tpu.memory_space<vmem>>, vector<1x16xf32>,
        %swap3A_1325 = vector.shape_cast %swap3A_1324 : vector<1x16xf32> to vector<16xf32>
        %swap3A_1326 = vector.shape_cast %mul3A_1321 : vector<16xf32> to vector<1x16xf32>
        tpu.vector_store %arg10[%swap3A_1322, %swap3A_1323], %swap3A_1326 {strides = array<i32>} : memref<80x128xf32, #tpu.memory_space<vmem>>, vector<1x16xf32>,
        %get3A_1327 = arith.index_cast %add3A_1286 : i32 to index
        %get3A_1328 = arith.constant 64 : index
        %get3A_1329 = tpu.vector_load %arg10[%get3A_1327, %get3A_1328] {strides = array<i32>} : memref<80x128xf32, #tpu.memory_space<vmem>>, vector<1x16xf32>,
        %get3A_1330 = vector.shape_cast %get3A_1329 : vector<1x16xf32> to vector<16xf32>
        %mul3A_1331 = arith.mulf %get3A_1330, %gather3A_1282 : vector<16xf32>
        %swap3A_1332 = arith.index_cast %add3A_1286 : i32 to index
        %swap3A_1333 = arith.constant 64 : index
        %swap3A_1334 = tpu.vector_load %arg10[%swap3A_1332, %swap3A_1333] {strides = array<i32>} : memref<80x128xf32, #tpu.memory_space<vmem>>, vector<1x16xf32>,
        %swap3A_1335 = vector.shape_cast %swap3A_1334 : vector<1x16xf32> to vector<16xf32>
        %swap3A_1336 = vector.shape_cast %mul3A_1331 : vector<16xf32> to vector<1x16xf32>
        tpu.vector_store %arg10[%swap3A_1332, %swap3A_1333], %swap3A_1336 {strides = array<i32>} : memref<80x128xf32, #tpu.memory_space<vmem>>, vector<1x16xf32>,
        %get3A_1337 = arith.index_cast %add3A_1286 : i32 to index
        %get3A_1338 = arith.constant 80 : index
        %get3A_1339 = tpu.vector_load %arg10[%get3A_1337, %get3A_1338] {strides = array<i32>} : memref<80x128xf32, #tpu.memory_space<vmem>>, vector<1x16xf32>,
        %get3A_1340 = vector.shape_cast %get3A_1339 : vector<1x16xf32> to vector<16xf32>
        %mul3A_1341 = arith.mulf %get3A_1340, %gather3A_1282 : vector<16xf32>
        %swap3A_1342 = arith.index_cast %add3A_1286 : i32 to index
        %swap3A_1343 = arith.constant 80 : index
        %swap3A_1344 = tpu.vector_load %arg10[%swap3A_1342, %swap3A_1343] {strides = array<i32>} : memref<80x128xf32, #tpu.memory_space<vmem>>, vector<1x16xf32>,
        %swap3A_1345 = vector.shape_cast %swap3A_1344 : vector<1x16xf32> to vector<16xf32>
        %swap3A_1346 = vector.shape_cast %mul3A_1341 : vector<16xf32> to vector<1x16xf32>
        tpu.vector_store %arg10[%swap3A_1342, %swap3A_1343], %swap3A_1346 {strides = array<i32>} : memref<80x128xf32, #tpu.memory_space<vmem>>, vector<1x16xf32>,
        %get3A_1347 = arith.index_cast %add3A_1286 : i32 to index
        %get3A_1348 = arith.constant 96 : index
        %get3A_1349 = tpu.vector_load %arg10[%get3A_1347, %get3A_1348] {strides = array<i32>} : memref<80x128xf32, #tpu.memory_space<vmem>>, vector<1x16xf32>,
        %get3A_1350 = vector.shape_cast %get3A_1349 : vector<1x16xf32> to vector<16xf32>
        %mul3A_1351 = arith.mulf %get3A_1350, %gather3A_1282 : vector<16xf32>
        %swap3A_1352 = arith.index_cast %add3A_1286 : i32 to index
        %swap3A_1353 = arith.constant 96 : index
        %swap3A_1354 = tpu.vector_load %arg10[%swap3A_1352, %swap3A_1353] {strides = array<i32>} : memref<80x128xf32, #tpu.memory_space<vmem>>, vector<1x16xf32>,
        %swap3A_1355 = vector.shape_cast %swap3A_1354 : vector<1x16xf32> to vector<16xf32>
        %swap3A_1356 = vector.shape_cast %mul3A_1351 : vector<16xf32> to vector<1x16xf32>
        tpu.vector_store %arg10[%swap3A_1352, %swap3A_1353], %swap3A_1356 {strides = array<i32>} : memref<80x128xf32, #tpu.memory_space<vmem>>, vector<1x16xf32>,
        %get3A_1357 = arith.index_cast %add3A_1286 : i32 to index
        %get3A_1358 = arith.constant 112 : index
        %get3A_1359 = tpu.vector_load %arg10[%get3A_1357, %get3A_1358] {strides = array<i32>} : memref<80x128xf32, #tpu.memory_space<vmem>>, vector<1x16xf32>,
        %get3A_1360 = vector.shape_cast %get3A_1359 : vector<1x16xf32> to vector<16xf32>
        %mul3A_1361 = arith.mulf %get3A_1360, %gather3A_1282 : vector<16xf32>
        %swap3A_1362 = arith.index_cast %add3A_1286 : i32 to index
        %swap3A_1363 = arith.constant 112 : index
        %swap3A_1364 = tpu.vector_load %arg10[%swap3A_1362, %swap3A_1363] {strides = array<i32>} : memref<80x128xf32, #tpu.memory_space<vmem>>, vector<1x16xf32>,
        %swap3A_1365 = vector.shape_cast %swap3A_1364 : vector<1x16xf32> to vector<16xf32>
        %swap3A_1366 = vector.shape_cast %mul3A_1361 : vector<16xf32> to vector<1x16xf32>
        tpu.vector_store %arg10[%swap3A_1362, %swap3A_1363], %swap3A_1366 {strides = array<i32>} : memref<80x128xf32, #tpu.memory_space<vmem>>, vector<1x16xf32>,
        %broadcast_in_dim3A_1367 = arith.constant 15 : i32
        %broadcast_in_dim3A_1368 = vector.broadcast %broadcast_in_dim3A_1367 : i32 to vector<16x1xi32>
        %gather3A_1369 = vector.shape_cast %broadcast_in_dim3A_1368 : vector<16x1xi32> to vector<16xi32>
        %gather3A_1370 = tpu.dynamic_gather %get3A_48[%gather3A_1369] in [0] : vector<16xf32>, vector<16xi32> -> vector<16xf32>
        %mul3A_1371 = arith.constant 16 : i32
        %mul3A_1372 = arith.muli %scan3A_44, %mul3A_1371 : i32
        %add3A_1373 = arith.constant 15 : i32
        %add3A_1374 = arith.addi %mul3A_1372, %add3A_1373 : i32
        %get3A_1375 = arith.index_cast %add3A_1374 : i32 to index
        %get3A_1376 = arith.constant 0 : index
        %get3A_1377 = tpu.vector_load %arg10[%get3A_1375, %get3A_1376] {strides = array<i32>} : memref<80x128xf32, #tpu.memory_space<vmem>>, vector<1x16xf32>,
        %get3A_1378 = vector.shape_cast %get3A_1377 : vector<1x16xf32> to vector<16xf32>
        %mul3A_1379 = arith.mulf %get3A_1378, %gather3A_1370 : vector<16xf32>
        %swap3A_1380 = arith.index_cast %add3A_1374 : i32 to index
        %swap3A_1381 = arith.constant 0 : index
        %swap3A_1382 = tpu.vector_load %arg10[%swap3A_1380, %swap3A_1381] {strides = array<i32>} : memref<80x128xf32, #tpu.memory_space<vmem>>, vector<1x16xf32>,
        %swap3A_1383 = vector.shape_cast %swap3A_1382 : vector<1x16xf32> to vector<16xf32>
        %swap3A_1384 = vector.shape_cast %mul3A_1379 : vector<16xf32> to vector<1x16xf32>
        tpu.vector_store %arg10[%swap3A_1380, %swap3A_1381], %swap3A_1384 {strides = array<i32>} : memref<80x128xf32, #tpu.memory_space<vmem>>, vector<1x16xf32>,
        %get3A_1385 = arith.index_cast %add3A_1374 : i32 to index
        %get3A_1386 = arith.constant 16 : index
        %get3A_1387 = tpu.vector_load %arg10[%get3A_1385, %get3A_1386] {strides = array<i32>} : memref<80x128xf32, #tpu.memory_space<vmem>>, vector<1x16xf32>,
        %get3A_1388 = vector.shape_cast %get3A_1387 : vector<1x16xf32> to vector<16xf32>
        %mul3A_1389 = arith.mulf %get3A_1388, %gather3A_1370 : vector<16xf32>
        %swap3A_1390 = arith.index_cast %add3A_1374 : i32 to index
        %swap3A_1391 = arith.constant 16 : index
        %swap3A_1392 = tpu.vector_load %arg10[%swap3A_1390, %swap3A_1391] {strides = array<i32>} : memref<80x128xf32, #tpu.memory_space<vmem>>, vector<1x16xf32>,
        %swap3A_1393 = vector.shape_cast %swap3A_1392 : vector<1x16xf32> to vector<16xf32>
        %swap3A_1394 = vector.shape_cast %mul3A_1389 : vector<16xf32> to vector<1x16xf32>
        tpu.vector_store %arg10[%swap3A_1390, %swap3A_1391], %swap3A_1394 {strides = array<i32>} : memref<80x128xf32, #tpu.memory_space<vmem>>, vector<1x16xf32>,
        %get3A_1395 = arith.index_cast %add3A_1374 : i32 to index
        %get3A_1396 = arith.constant 32 : index
        %get3A_1397 = tpu.vector_load %arg10[%get3A_1395, %get3A_1396] {strides = array<i32>} : memref<80x128xf32, #tpu.memory_space<vmem>>, vector<1x16xf32>,
        %get3A_1398 = vector.shape_cast %get3A_1397 : vector<1x16xf32> to vector<16xf32>
        %mul3A_1399 = arith.mulf %get3A_1398, %gather3A_1370 : vector<16xf32>
        %swap3A_1400 = arith.index_cast %add3A_1374 : i32 to index
        %swap3A_1401 = arith.constant 32 : index
        %swap3A_1402 = tpu.vector_load %arg10[%swap3A_1400, %swap3A_1401] {strides = array<i32>} : memref<80x128xf32, #tpu.memory_space<vmem>>, vector<1x16xf32>,
        %swap3A_1403 = vector.shape_cast %swap3A_1402 : vector<1x16xf32> to vector<16xf32>
        %swap3A_1404 = vector.shape_cast %mul3A_1399 : vector<16xf32> to vector<1x16xf32>
        tpu.vector_store %arg10[%swap3A_1400, %swap3A_1401], %swap3A_1404 {strides = array<i32>} : memref<80x128xf32, #tpu.memory_space<vmem>>, vector<1x16xf32>,
        %get3A_1405 = arith.index_cast %add3A_1374 : i32 to index
        %get3A_1406 = arith.constant 48 : index
        %get3A_1407 = tpu.vector_load %arg10[%get3A_1405, %get3A_1406] {strides = array<i32>} : memref<80x128xf32, #tpu.memory_space<vmem>>, vector<1x16xf32>,
        %get3A_1408 = vector.shape_cast %get3A_1407 : vector<1x16xf32> to vector<16xf32>
        %mul3A_1409 = arith.mulf %get3A_1408, %gather3A_1370 : vector<16xf32>
        %swap3A_1410 = arith.index_cast %add3A_1374 : i32 to index
        %swap3A_1411 = arith.constant 48 : index
        %swap3A_1412 = tpu.vector_load %arg10[%swap3A_1410, %swap3A_1411] {strides = array<i32>} : memref<80x128xf32, #tpu.memory_space<vmem>>, vector<1x16xf32>,
        %swap3A_1413 = vector.shape_cast %swap3A_1412 : vector<1x16xf32> to vector<16xf32>
        %swap3A_1414 = vector.shape_cast %mul3A_1409 : vector<16xf32> to vector<1x16xf32>
        tpu.vector_store %arg10[%swap3A_1410, %swap3A_1411], %swap3A_1414 {strides = array<i32>} : memref<80x128xf32, #tpu.memory_space<vmem>>, vector<1x16xf32>,
        %get3A_1415 = arith.index_cast %add3A_1374 : i32 to index
        %get3A_1416 = arith.constant 64 : index
        %get3A_1417 = tpu.vector_load %arg10[%get3A_1415, %get3A_1416] {strides = array<i32>} : memref<80x128xf32, #tpu.memory_space<vmem>>, vector<1x16xf32>,
        %get3A_1418 = vector.shape_cast %get3A_1417 : vector<1x16xf32> to vector<16xf32>
        %mul3A_1419 = arith.mulf %get3A_1418, %gather3A_1370 : vector<16xf32>
        %swap3A_1420 = arith.index_cast %add3A_1374 : i32 to index
        %swap3A_1421 = arith.constant 64 : index
        %swap3A_1422 = tpu.vector_load %arg10[%swap3A_1420, %swap3A_1421] {strides = array<i32>} : memref<80x128xf32, #tpu.memory_space<vmem>>, vector<1x16xf32>,
        %swap3A_1423 = vector.shape_cast %swap3A_1422 : vector<1x16xf32> to vector<16xf32>
        %swap3A_1424 = vector.shape_cast %mul3A_1419 : vector<16xf32> to vector<1x16xf32>
        tpu.vector_store %arg10[%swap3A_1420, %swap3A_1421], %swap3A_1424 {strides = array<i32>} : memref<80x128xf32, #tpu.memory_space<vmem>>, vector<1x16xf32>,
        %get3A_1425 = arith.index_cast %add3A_1374 : i32 to index
        %get3A_1426 = arith.constant 80 : index
        %get3A_1427 = tpu.vector_load %arg10[%get3A_1425, %get3A_1426] {strides = array<i32>} : memref<80x128xf32, #tpu.memory_space<vmem>>, vector<1x16xf32>,
        %get3A_1428 = vector.shape_cast %get3A_1427 : vector<1x16xf32> to vector<16xf32>
        %mul3A_1429 = arith.mulf %get3A_1428, %gather3A_1370 : vector<16xf32>
        %swap3A_1430 = arith.index_cast %add3A_1374 : i32 to index
        %swap3A_1431 = arith.constant 80 : index
        %swap3A_1432 = tpu.vector_load %arg10[%swap3A_1430, %swap3A_1431] {strides = array<i32>} : memref<80x128xf32, #tpu.memory_space<vmem>>, vector<1x16xf32>,
        %swap3A_1433 = vector.shape_cast %swap3A_1432 : vector<1x16xf32> to vector<16xf32>
        %swap3A_1434 = vector.shape_cast %mul3A_1429 : vector<16xf32> to vector<1x16xf32>
        tpu.vector_store %arg10[%swap3A_1430, %swap3A_1431], %swap3A_1434 {strides = array<i32>} : memref<80x128xf32, #tpu.memory_space<vmem>>, vector<1x16xf32>,
        %get3A_1435 = arith.index_cast %add3A_1374 : i32 to index
        %get3A_1436 = arith.constant 96 : index
        %get3A_1437 = tpu.vector_load %arg10[%get3A_1435, %get3A_1436] {strides = array<i32>} : memref<80x128xf32, #tpu.memory_space<vmem>>, vector<1x16xf32>,
        %get3A_1438 = vector.shape_cast %get3A_1437 : vector<1x16xf32> to vector<16xf32>
        %mul3A_1439 = arith.mulf %get3A_1438, %gather3A_1370 : vector<16xf32>
        %swap3A_1440 = arith.index_cast %add3A_1374 : i32 to index
        %swap3A_1441 = arith.constant 96 : index
        %swap3A_1442 = tpu.vector_load %arg10[%swap3A_1440, %swap3A_1441] {strides = array<i32>} : memref<80x128xf32, #tpu.memory_space<vmem>>, vector<1x16xf32>,
        %swap3A_1443 = vector.shape_cast %swap3A_1442 : vector<1x16xf32> to vector<16xf32>
        %swap3A_1444 = vector.shape_cast %mul3A_1439 : vector<16xf32> to vector<1x16xf32>
        tpu.vector_store %arg10[%swap3A_1440, %swap3A_1441], %swap3A_1444 {strides = array<i32>} : memref<80x128xf32, #tpu.memory_space<vmem>>, vector<1x16xf32>,
        %get3A_1445 = arith.index_cast %add3A_1374 : i32 to index
        %get3A_1446 = arith.constant 112 : index
        %get3A_1447 = tpu.vector_load %arg10[%get3A_1445, %get3A_1446] {strides = array<i32>} : memref<80x128xf32, #tpu.memory_space<vmem>>, vector<1x16xf32>,
        %get3A_1448 = vector.shape_cast %get3A_1447 : vector<1x16xf32> to vector<16xf32>
        %mul3A_1449 = arith.mulf %get3A_1448, %gather3A_1370 : vector<16xf32>
        %swap3A_1450 = arith.index_cast %add3A_1374 : i32 to index
        %swap3A_1451 = arith.constant 112 : index
        %swap3A_1452 = tpu.vector_load %arg10[%swap3A_1450, %swap3A_1451] {strides = array<i32>} : memref<80x128xf32, #tpu.memory_space<vmem>>, vector<1x16xf32>,
        %swap3A_1453 = vector.shape_cast %swap3A_1452 : vector<1x16xf32> to vector<16xf32>
        %swap3A_1454 = vector.shape_cast %mul3A_1449 : vector<16xf32> to vector<1x16xf32>
        tpu.vector_store %arg10[%swap3A_1450, %swap3A_1451], %swap3A_1454 {strides = array<i32>} : memref<80x128xf32, #tpu.memory_space<vmem>>, vector<1x16xf32>,
      }
      %scan3A_43 = arith.constant 5 : i32
      "tpu.region"() ({
        %run_scoped3A = tpu.sem_alloc : memref<!tpu.dma_semaphore, #tpu.memory_space<semaphore_mem>>
        %dma_start3A_44 = arith.constant 0 : i32
        %dma_start3A_45 = arith.constant 0 : i32
        %dma_start3A_46 = tpu.memref_slice %arg12[%dma_start3A_44, %dma_start3A_45] : memref<10240x128xf32, #tpu.memory_space<vmem_shared>> -> memref<10240x128xf32, #tpu.memory_space<vmem_shared>>
        tpu.enqueue_indirect_dma source(%arg10 : memref<80x128xf32, #tpu.memory_space<vmem>>) target(%dma_start3A_46 : memref<10240x128xf32, #tpu.memory_space<vmem_shared>>) offsets(%arg8 : memref<80xi32, #tpu.memory_space<vmem>>) semaphore(%run_scoped3A : memref<!tpu.dma_semaphore, #tpu.memory_space<semaphore_mem>>) {add = true}
        %dma_wait3A_47 = arith.constant 0 : i32
        %dma_wait3A_48 = arith.constant 0 : i32
        %dma_wait3A_49 = tpu.memref_slice %arg12[%dma_wait3A_47, %dma_wait3A_48] : memref<10240x128xf32, #tpu.memory_space<vmem_shared>> -> memref<10240x128xf32, #tpu.memory_space<vmem_shared>>
        tpu.wait_indirect_dma semaphore(%run_scoped3A : memref<!tpu.dma_semaphore, #tpu.memory_space<semaphore_mem>>) src(%arg10 : memref<80x128xf32, #tpu.memory_space<vmem>>) dst(%dma_wait3A_49 : memref<10240x128xf32, #tpu.memory_space<vmem_shared>>)
        tpu.yield
      }) : () -> ()
    }
    %scan3A_22 = arith.constant 125 : i32
    %barrier3A_23 = arith.constant 0 : index
    tpu.barrier barrier_id(%barrier3A_23)
    %scan3A_24 = arith.constant 0 : i32
    %scan3A_25 = arith.constant 0 : i32
    %scan3A_26 = arith.constant 5 : i32
    %scan3A_27 = arith.addi %scan3A_25, %scan3A_26 : i32
    %scan3A_28 = arith.constant 1 : i32
    scf.for %scan3A_30 = %scan3A_25 to %scan3A_27 step %scan3A_28  : i32 {
      %mul3A_31 = arith.constant 128 : i32
      %mul3A_32 = arith.muli %scan3A_30, %mul3A_31 : i32
      %add3A_33 = arith.addi %mul3A_0, %mul3A_32 : i32
      "tpu.region"() ({
        %run_scoped3A = tpu.sem_alloc : memref<!tpu.dma_semaphore, #tpu.memory_space<semaphore_mem>>
        %dma_start3A = arith.constant 0 : i32
        %dma_start3A_34 = tpu.memref_slice %arg12[%add3A_33, %dma_start3A] : memref<10240x128xf32, #tpu.memory_space<vmem_shared>> -> memref<128x128xf32, #tpu.memory_space<vmem_shared>>
        %dma_start3A_35 = arith.constant 0 : i32
        %dma_start3A_36 = tpu.memref_slice %arg12[%add3A_33, %dma_start3A_35] : memref<10240x128xf32, #tpu.memory_space<vmem_shared>> -> memref<128x128xf32, #tpu.memory_space<vmem_shared>>
        tpu.enqueue_dma source(%dma_start3A_36 : memref<128x128xf32, #tpu.memory_space<vmem_shared>>) target(%arg11 : memref<128x128xf32, #tpu.memory_space<vmem>>) target_semaphore(%run_scoped3A : memref<!tpu.dma_semaphore, #tpu.memory_space<semaphore_mem>>)
        %dma_wait3A = arith.constant 0 : i32
        %dma_wait3A_37 = tpu.memref_slice %arg12[%add3A_33, %dma_wait3A] : memref<10240x128xf32, #tpu.memory_space<vmem_shared>> -> memref<128x128xf32, #tpu.memory_space<vmem_shared>>
        %dma_wait3A_38 = arith.constant 0 : i32
        %dma_wait3A_39 = tpu.memref_slice %arg12[%add3A_33, %dma_wait3A_38] : memref<10240x128xf32, #tpu.memory_space<vmem_shared>> -> memref<128x128xf32, #tpu.memory_space<vmem_shared>>
        tpu.wait_dma2 semaphore(%run_scoped3A : memref<!tpu.dma_semaphore, #tpu.memory_space<semaphore_mem>>) src(%dma_wait3A_39 : memref<128x128xf32, #tpu.memory_space<vmem_shared>>) dst(%arg11 : memref<128x128xf32, #tpu.memory_space<vmem>>)
        tpu.yield
      }) : () -> ()
      "tpu.region"() ({
        %run_scoped3A = tpu.sem_alloc : memref<!tpu.dma_semaphore, #tpu.memory_space<semaphore_mem>>
        %dma_start3A = arith.constant 0 : i32
        %dma_start3A_34 = tpu.memref_slice %arg6[%arg0, %add3A_33, %dma_start3A] : memref<2x10240x128xf32, #tpu.memory_space<hbm>> -> memref<1x128x128xf32, #tpu.memory_space<hbm>>
        %dma_start3A_35 = tpu.memref_squeeze %dma_start3A_34 : memref<1x128x128xf32, #tpu.memory_space<hbm>> -> memref<128x128xf32, #tpu.memory_space<hbm>>
        %dma_start3A_36 = arith.constant 0 : i32
        %dma_start3A_37 = tpu.memref_slice %arg6[%arg0, %add3A_33, %dma_start3A_36] : memref<2x10240x128xf32, #tpu.memory_space<hbm>> -> memref<1x128x128xf32, #tpu.memory_space<hbm>>
        %dma_start3A_38 = tpu.memref_squeeze %dma_start3A_37 : memref<1x128x128xf32, #tpu.memory_space<hbm>> -> memref<128x128xf32, #tpu.memory_space<hbm>>
        tpu.enqueue_dma source(%arg11 : memref<128x128xf32, #tpu.memory_space<vmem>>) target(%dma_start3A_38 : memref<128x128xf32, #tpu.memory_space<hbm>>) target_semaphore(%run_scoped3A : memref<!tpu.dma_semaphore, #tpu.memory_space<semaphore_mem>>)
        %dma_wait3A = arith.constant 0 : i32
        %dma_wait3A_39 = tpu.memref_slice %arg6[%arg0, %add3A_33, %dma_wait3A] : memref<2x10240x128xf32, #tpu.memory_space<hbm>> -> memref<1x128x128xf32, #tpu.memory_space<hbm>>
        %dma_wait3A_40 = tpu.memref_squeeze %dma_wait3A_39 : memref<1x128x128xf32, #tpu.memory_space<hbm>> -> memref<128x128xf32, #tpu.memory_space<hbm>>
        %dma_wait3A_41 = arith.constant 0 : i32
        %dma_wait3A_42 = tpu.memref_slice %arg6[%arg0, %add3A_33, %dma_wait3A_41] : memref<2x10240x128xf32, #tpu.memory_space<hbm>> -> memref<1x128x128xf32, #tpu.memory_space<hbm>>
        %dma_wait3A_43 = tpu.memref_squeeze %dma_wait3A_42 : memref<1x128x128xf32, #tpu.memory_space<hbm>> -> memref<128x128xf32, #tpu.memory_space<hbm>>
        tpu.wait_dma2 semaphore(%run_scoped3A : memref<!tpu.dma_semaphore, #tpu.memory_space<semaphore_mem>>) src(%arg11 : memref<128x128xf32, #tpu.memory_space<vmem>>) dst(%dma_wait3A_43 : memref<128x128xf32, #tpu.memory_space<hbm>>)
        tpu.yield
      }) : () -> ()
    }
    %scan3A_29 = arith.constant 5 : i32
    return
  }
}

</mosaic_0001>

<sc_bundles>
// kernel: _spmm_sc.3.cloned.1.call-start
scs
__scs_entry_jumppad:
0x0: {  	(pc) =	sbr.rel $0x88, $3  }
0x1: {  	(tag) =	ssettag $0x0;
	lr =	simm.s32 $0x1  }
0x2: {  	[smem:$0x3F9D] =	sst lr;
	_ =	strace $0xD0000000  }
0x3: {  	_ = 	snop  }
0x4: {  	_ = 	snop  }
0x5: {  	_ = 	snop  }
0x6: {  	_ = 	snop  }
0x7: {  	_ = 	snop  }
__scs_overlays_trampoline_lowered:
0x8: {  	[smem:$0x3FAC] =	sst s0  }
0x9: {  	[smem:$0x3FAD] =	sst s1  }
0xa: {  	[smem:$0x3FAE] =	sst s2  }
0xb: {  	[smem:$0x3FAF] =	sst s3  }
0xc: {  	[smem:$0x3FB0] =	sst s4  }
0xd: {  	[smem:$0x3FB1] =	sst s5  }
0xe: {  	[smem:$0x3FB2] =	sst s6  }
0xf: {  	[smem:$0x3FB3] =	sst s7  }
0x10: {  	[smem:$0x3FB4] =	sst s8  }
0x11: {  	[smem:$0x3FB5] =	sst s9;
	s0 =	simm.s32 @!p0 $0x0  }
0x12: {  	s1 =	sld [smem:$0x3F9B];
	s0 =	simm.s32 @p0 $0x1  }
0x13: {  	[smem:$0x3FB6] =	sst s0;
	s0 =	simm.s32 @!p1 $0x0  }
0x14: {  	s2 =	sld [smem:$0x3F9A];
	s0 =	simm.s32 @p1 $0x1  }
0x15: {  	[smem:$0x3FB7] =	sst s0;
	s0 =	simm.s32 @!p2 $0x0  }
0x16: {  	s3 =	sld [smem:$0x3FDB];
	s0 =	simm.s32 @p2 $0x1  }
0x17: {  	s4 =	simm.s32 $0x1BF5;
	[smem:$0x3FB9] =	sst s0  }
0x18: {  	s0 =	sld [smem:$0x3F9C];
	_ =	swait.ge [sflag:s4], $0x0  }
0x19: {  	s7 =	sld [smem:$0x3F9D]  }
0x1a: {  	s8 =	sadd.s32 $0xFFFFE003, lr  }
0x1b: {  	s9 =	sadd.s32 $0xFFFFFEF7, lr;
	s5 =	simm.s32 $0xFFFFFFFF;
	p2 =	slt.u32 s8, $0xFFFFF086  }
0x1c: {  	p1 =	slt.u32 s9, $0xF7A;
	s5 =	simm.s32 @!p2 $0x0  }
0x1d: {  	s5 =	simm.s32 @p1 $0x1;
	p0 =	seq.s32 s7, s2  }
0x1e: {  	s7 =	smul.u32 @!p0 $0xF7A, s2;
	p2 =	seq.s32 @!p0 s5, $0x0  }
0x1f: {  	s9 =	smul.u32 $0xF7A, s1;
	s8 =	simm.s32 @!p0 $0x1BF5;
	p2 =	por !p2, p0  }
0x20: {  	[sflag:s8] =	ssyncset.s32 @!p0 $0xFFFFF086;
	s6 =	sadd.s32 @!p0 s3, s7;
	s7 =	simm.s32 @!p0 $0x108  }
0x21: {  	s3 =	sadd.s32 s3, s9;
	s6 =	sadd.s32 @!p0 $0x88, s6;
	s7 =	simm.s32 @p2 $0x1082  }
0x22: {  	[simem:s7], [sflag:s8] =	dma.local @!p0 [hbm:s6], $0xF7A  }
0x23: {  	s9 =	sor.u32 $0xD0000000, s2;
	s6 =	simm.s32 $0x108;
	_ =	swait.ge @!p0 [sflag:s8], $0x0  }
0x24: {  	s3 =	sadd.s32 $0x88, s3;
	s6 =	simm.s32 @!p1 $0x1082;
	[sflag:s4] =	ssyncset.s32 $0xFFFFF086  }
0x25: {  	[simem:s6], [sflag:s4] =	dma.local [hbm:s3], $0xF7A  }
0x26: {  	[smem:$0x3F9D] =	sst s1;
	(tag) =	ssettag s2;
	_ =	strace s9  }
0x27: {  	s1 =	sld [smem:$0x3FAD]  }
0x28: {  	s2 =	sld [smem:$0x3FAE]  }
0x29: {  	s4 =	sld [smem:$0x3FB0]  }
0x2a: {  	p0 =	seq.s32 s5, $0x0;
	s5 =	sld [smem:$0x3FB1]  }
0x2b: {  	s6 =	sld [smem:$0x3FB2]  }
0x2c: {  	s7 =	sld [smem:$0x3FB3]  }
0x2d: {  	s3 =	simm.s32 $0x108;
	s8 =	sld [smem:$0x3FB4]  }
0x2e: {  	s3 =	simm.s32 @!p0 $0x1082;
	s9 =	sld [smem:$0x3FB5]  }
0x2f: {  	lr =	sadd.s32 s0, s3;
	s0 =	sld [smem:$0x3FAC]  }
0x30: {  	s3 =	sld [smem:$0x3FAF]  }
0x31: {  	[smem:$0x3FB8] =	sst s10  }
0x32: {  	s10 =	sld [smem:$0x3FB6];
	_ =	sdelay $0x3  }
0x33: {  	p0 =	seq.s32 s10, $0x1;
	s10 =	sld [smem:$0x3FB8];
	_ =	sdelay $0x3  }
0x34: {  	[smem:$0x3FB8] =	sst s10  }
0x35: {  	s10 =	sld [smem:$0x3FB7];
	_ =	sdelay $0x3  }
0x36: {  	p1 =	seq.s32 s10, $0x1;
	s10 =	sld [smem:$0x3FB8];
	_ =	sdelay $0x3  }
0x37: {  	[smem:$0x3FB8] =	sst s10  }
0x38: {  	s10 =	sld [smem:$0x3FB9]  }
0x39: {  	_ = 	snop;
	(pc) =	sbr.ind lr, $3  }
0x3a: {  	_ = 	snop  }
0x3b: {  	_ = 	snop  }
0x3c: {  	p2 =	seq.s32 s10, $0x1;
	s10 =	sld [smem:$0x3FB8]  }
0x3d: {  	_ =	shalt  }
0x3e: {  	_ =	shalt  }
0x3f: {  	_ =	shalt  }
0x40: {  	_ =	shalt  }
0x41: {  	_ =	shalt  }
0x42: {  	_ =	shalt  }
0x43: {  	_ =	shalt  }
0x44: {  	_ =	shalt  }
0x45: {  	_ =	shalt  }
0x46: {  	_ =	shalt  }
0x47: {  	_ =	shalt  }
0x48: {  	_ =	shalt  }
0x49: {  	_ =	shalt  }
0x4a: {  	_ =	shalt  }
0x4b: {  	_ =	shalt  }
0x4c: {  	_ =	shalt  }
0x4d: {  	_ =	shalt  }
0x4e: {  	_ =	shalt  }
0x4f: {  	_ =	shalt  }
0x50: {  	_ =	shalt  }
0x51: {  	_ =	shalt  }
0x52: {  	_ =	shalt  }
0x53: {  	_ =	shalt  }
0x54: {  	_ =	shalt  }
0x55: {  	_ =	shalt  }
0x56: {  	_ =	shalt  }
0x57: {  	_ =	shalt  }
0x58: {  	_ =	shalt  }
0x59: {  	_ =	shalt  }
0x5a: {  	_ =	shalt  }
0x5b: {  	_ =	shalt  }
0x5c: {  	_ =	shalt  }
0x5d: {  	_ =	shalt  }
0x5e: {  	_ =	shalt  }
0x5f: {  	_ =	shalt  }
0x60: {  	_ =	shalt  }
0x61: {  	_ =	shalt  }
0x62: {  	_ =	shalt  }
0x63: {  	_ =	shalt  }
0x64: {  	_ =	shalt  }
0x65: {  	_ =	shalt  }
0x66: {  	_ =	shalt  }
0x67: {  	_ =	shalt  }
0x68: {  	_ =	shalt  }
0x69: {  	_ =	shalt  }
0x6a: {  	_ =	shalt  }
0x6b: {  	_ =	shalt  }
0x6c: {  	_ =	shalt  }
0x6d: {  	_ =	shalt  }
0x6e: {  	_ =	shalt  }
0x6f: {  	_ =	shalt  }
0x70: {  	_ =	shalt  }
0x71: {  	_ =	shalt  }
0x72: {  	_ =	shalt  }
0x73: {  	_ =	shalt  }
0x74: {  	_ =	shalt  }
0x75: {  	_ =	shalt  }
0x76: {  	_ =	shalt  }
0x77: {  	_ =	shalt  }
0x78: {  	_ =	shalt  }
0x79: {  	_ =	shalt  }
0x7a: {  	_ =	shalt  }
0x7b: {  	_ =	shalt  }
0x7c: {  	_ =	shalt  }
0x7d: {  	_ =	shalt  }
0x7e: {  	_ =	shalt  }
0x7f: {  	_ =	shalt  }
0x80: {  	_ =	shalt  }
0x81: {  	_ =	shalt  }
0x82: {  	_ =	shalt  }
0x83: {  	_ =	shalt  }
0x84: {  	_ =	shalt  }
0x85: {  	_ =	shalt  }
0x86: {  	_ =	shalt  }
0x87: {  	_ =	shalt  }
.Lfunc_end0:
.L_simem_size_0:
called_computation_lowered:
.L_overlay_start_0:
0x88: {  	s2 =	sld [smem:$0x3FD9]  }
0x89: {  	s3 =	sld [smem:$0x3FFE];
	_ =	sdelay $0x1  }
0x8a: {  	s1 =	srdreg.scid  }
0x8b: {  	s0 =	sand.u32 $0x1, s1  }
0x8c: {  	s18 =	sshll.u32 s0, $0xA;
	s2 =	sadd.s32 s3, s2  }
0x8d: {  	s2 =	sadd.s32 s2, s18  }
0x8e: {  	[smem:$0x3FC4] =	sst s2  }
0x8f: {  	_ = 	snop  }
0x90: {  	s2 =	sld [smem:$0x3FC9]  }
0x91: {  	s19 =	sld [smem:$0x3FC8]  }
0x92: {  	s4 =	sld [smem:$0x3FC7]  }
0x93: {  	s5 =	sld [smem:$0x3FC6]  }
0x94: {  	s6 =	sld [smem:$0x3FD0];
	(tm) =	ssettm $0x1  }
0x95: {  	s7 =	sld [smem:$0x3FFB];
	_ =	sdelay $0x3  }
0x96: {  	_ =	strace s7  }
0x97: {  	s7 =	sld [smem:$0x3FFC];
	_ =	sdelay $0x3  }
0x98: {  	_ =	strace s7  }
0x99: {  	s7 =	sld [smem:$0x3FFD];
	_ =	sdelay $0x3  }
0x9a: {  	_ =	strace s7  }
0x9b: {  	_ =	strace $0x8FFFFFFF  }
0x9c: {  	s20 =	sld [smem:$0x3FDB];
	_ =	sdelay $0x1  }
0x9d: {  	s8 =	simm.s32 $_scs_section_size  }
0x9e: {  	s9 =	simm.s32 $_size__tile_overlayer_lowered;
	s10 =	simm.s32 $_tile_overlayer_lowered  }
0x9f: {  	s23 =	simm.s32 $0x1BFF;
	s22 =	sshll.u32 s10, $0x1;
	s7 =	sadd.s32 s8, s20  }
0xa0: {  	s11 =	simm.s32 $0x0;
	s21 =	sshll.u32 s9, $0x1;
	s9 =	sadd.s32 s22, s7  }
0xa1: {  	[timem:s11], [sflag:s23] =	dma.local [hbm:s9], s21  }
0xa2: {  	_ =	swait.ge [sflag:s23], s21  }
0xa3: {  	s8 =	ssub.s32 $0x0, s21;
	[sflag:s23] =	ssyncset.done $0x0  }
0xa4: {  	[sflag:s23] =	ssyncadd.s32 s8;
	_ =	sdelay $0x1  }
0xa5: {  	s24 =	simm.s32 $0x1B8B  }
0xa6: {  	_ =	swait.ge [sflag:s24], $0x1  }
0xa7: {  	[sflag:s24] =	ssyncset.done $0x0  }
0xa8: {  	s25 =	simm.s32 $0x1B8E;
	[sflag:s24] =	ssyncadd.s32 $0xFFFFFFFF  }
0xa9: {  	s26 =	simm.s32 $execute0_lowered;
	[smem:$0x3FD2] =	sst s25  }
0xaa: {  	s8 =	sshll.u32 s26, $0x1;
	_ =	strace $0x80000046;
	[dreg:$0x1] =	wrdreg $0xFFFFFFFF  }
0xab: {  	s28 =	simm.s32 $_size_execute0_lowered;
	s7 =	sadd.s32 s7, s8;
	[dreg:$0x0] =	wrdreg $0x0  }
0xac: {  	s8 =	sshll.u32 s28, $0x1;
	[dreg:$0x2] =	wrdreg s7  }
0xad: {  	[dreg:$0x3] =	wrdreg s8  }
0xae: {  	[dreg:$0x4] =	wrdreg $0xC0  }
0xaf: {  	_ =	task [dreg:s11], $0x5FFFF  }
0xb0: {  	[dreg:$0x1] =	wrdreg $0xFFFFFFFF  }
0xb1: {  	[dreg:$0x0] =	wrdreg $0x60  }
0xb2: {  	[dreg:$0x2] =	wrdreg s2  }
0xb3: {  	[dreg:$0x3] =	wrdreg s19  }
0xb4: {  	[dreg:$0x4] =	wrdreg s4  }
0xb5: {  	[dreg:$0x5] =	wrdreg s5  }
0xb6: {  	[dreg:$0x6] =	wrdreg s6  }
0xb7: {  	[dreg:$0x7] =	wrdreg $0x69800  }
0xb8: {  	[dreg:$0x8] =	wrdreg $0x9  }
0xb9: {  	_ =	task.clear_ibuf [dreg:s11], $0x9FFFF;
	_ =	strace $0x90000046  }
0xba: {  	s29 =	simm.s32 $0x9;
	_ =	strace $0x80000048  }
0xbb: {  	_ =	swait.ge [sflag:s29], $0x1  }
0xbc: {  	[sflag:s29] =	ssyncadd.s32 $0xFFFFFFFF  }
0xbd: {  	_ =	strace $0x90000048  }
0xbe: {  	_ =	sfence  }
0xbf: {  	s30 =	sld [smem:$0x0];
	_ =	sdelay $0x2  }
0xc0: {  	s31 =	sshll.u32 s1, $0xD;
	s1 =	sshrl.u32 s1, $0x2  }
0xc1: {  	s3 =	sand.u32 $0x4000, s31;
	s1 =	sadd.s32 s1, s30  }
0xc2: {  	s0 =	sor.u32 s3, s0;
	s1 =	sshll.u32 s1, $0x11  }
0xc3: {  	s0 =	sor.u32 s1, s0  }
0xc4: {  	s0 =	sadd.s32 $0x8F2B, s0  }
0xc5: {  	[sflag:s0] =	ssyncadd.remote.s32 $0x1  }
0xc6: {  	_ =	sfence.sel $0xFFFF  }
0xc7: {  	[dreg:$0x0] =	wrdreg $0xFFFFFFFF;
	(pc) =	sbr.abs _section_cstart, $3  }
0xc8: {  	[dreg:$0x1] =	wrdreg $0xFFFFFFFF  }
0xc9: {  	_ =	task.clear_ibuf [dreg:s11], $0x2FFFF;
	_ =	strace $0x9FFFFFFF  }
0xca: {  	(tm) =	ssettm $0x7FFFFFFF  }
0xcb: {  	_ =	shalt  }
tec
execute0_lowered:
.L_overlay_start_1:
0x0: {  	(tag) =	ssettag $0x1  }
0x1: {  	s0 =	rddreg [dreg:$0x0]  }
0x2: {  	s2 =	rddreg [dreg:$0x1]  }
0x3: {  	s3 =	rddreg [dreg:$0x2]  }
0x4: {  	s4 =	rddreg [dreg:$0x3]  }
0x5: {  	s1 =	rddreg [dreg:$0x4]  }
0x6: {  	s5 =	rddreg [dreg:$0x5];
	s6 =	srdreg.scid;
	s7 =	simm.s32 $0x0  }
0x7: {  	s12 =	stileid.u32;
	s28 =	simm.s32 $0x100;
	s29 =	simm.s32 $0x50  }
0x8: {  	s30 =	simm.s32 $0x180;
	s31 =	simm.s32 $0x1;
	s6 =	sand.u32 $0x1, s6  }
0x9: {  	[smem:$0x7FF] =	sst s7;
	s9 =	smul.u32 $0x50000, s12;
	s10 =	ssub.s32 $0x2, s6  }
0xa: {  	s8 =	sshll.u32 s6, $0x4;
	_ =	strace $0x80000047;
	s11 =	sshrl.u32 s10, $0x1  }
0xb: {  	s6 =	smul.u32 $0x140000, s6;
	s9 =	sshrl.u32 s9, $0x2;
	s10 =	ssub.s32 s10, s11  }
0xc: {  	s8 =	sor.u32 s12, s8;
	s9 =	sadd.s32 s9, s5;
	s10 =	smax.u32 s10, $0x1  }
0xd: {  	s8 =	smul.u32 $0x2710, s8;
	s20 =	sadd.s32 $0x4000, s9;
	[dreg:$0x7] =	wrdreg s10  }
0xe: {  	s11 =	smul.u32 $0x14000, s12;
	s21 =	sadd.s32 $0x8000, s9;
	[dreg:$0x8] =	wrdreg s20  }
0xf: {  	s13 =	sadd.s32 $0xC000, s9;
	s14 =	sadd.s32 $0x10000, s9;
	[dreg:$0x9] =	wrdreg s21  }
0x10: {  	s22 =	sadd.s32 s6, s11;
	s12 =	sadd.s32 $0x4000, s11;
	s18 =	sadd.s32 $0x8000, s11  }
0x11: {  	s25 =	sadd.s32 $0xC000, s11;
	s11 =	sadd.s32 $0x10000, s11;
	s10 =	sshrl.u32 s22, $0x3  }
0x12: {  	s16 =	sadd.s32 s6, s12;
	s24 =	sadd.s32 s6, s18;
	s18 =	sadd.s32 s18, s5  }
0x13: {  	v0 =	vimm.f32 $0.0e+00;
	v1 =	vimm.s32 $0x0;
	s26 =	sadd.s32 s6, s25;
	s20 =	sadd.s32 s25, s5;
	s6 =	sadd.s32 s6, s11  }
0x14: {  	v2 =	vimm.s32 $0x1;
	v3 =	vimm.s32 $0x2;
	v4 =	vimm.s32 $0x3;
	s22 =	sadd.s32 s11, s5;
	s25 =	simm.s32 $0x2;
	s15 =	sadd.s32 s1, s10  }
0x15: {  	v5 =	vimm.s32 $0x4;
	v6 =	vimm.s32 $0x5;
	v7 =	vimm.s32 $0x6;
	s23 =	sshrl.u32 s16, $0x3;
	s16 =	sadd.s32 s12, s5;
	s10 =	sshrl.u32 s24, $0x3  }
0x16: {  	v8 =	vimm.s32 $0x7;
	v9 =	vimm.s32 $0x8;
	v10 =	vimm.s32 $0x9;
	s6 =	sshrl.u32 s6, $0x3;
	s24 =	simm.s32 $0x2980;
	s17 =	sadd.s32 s1, s23  }
0x17: {  	v11 =	vimm.s32 $0xA;
	v12 =	vimm.s32 $0xB;
	v13 =	vimm.s32 $0xC;
	s19 =	sadd.s32 s1, s10;
	s10 =	sshrl.u32 s26, $0x3;
	s23 =	sadd.s32 s1, s6  }
0x18: {  	v14 =	vimm.s32 $0xD;
	v15 =	vimm.s32 $0xE;
	v16 =	vimm.s32 $0xF;
	s26 =	simm.s32 $0x80;
	s21 =	sadd.s32 s1, s10;
	s1 =	simm.s32 $0x0  }
.LBB2_1:
0x19: {  	s6 =	simm.s32 $0x0;
	s10 =	simm.s32 $0x200  }
.LBB2_2:
0x1a: {  	p0 =	sne.s32 s10, $0xFE00;
	[tilespmem:s6+$0x29F0] =	vst v0  }
0x1b: {  	[tilespmem:s6+$0x2980] =	vst v0  }
0x1c: {  	[tilespmem:s6+$0x2990] =	vst v0  }
.Ltmp0:
0x1d: {  	[tilespmem:s6+$0x29A0] =	vst v0;
	(pc) =	sbr.rel @p0 .LBB2_2-.Ltmp0, $4  }
0x1e: {  	[tilespmem:s6+$0x29B0] =	vst v0  }
0x1f: {  	[tilespmem:s6+$0x29C0] =	vst v0  }
0x20: {  	[tilespmem:s6+$0x29D0] =	vst v0  }
0x21: {  	[tilespmem:s6+$0x29E0] =	vst v0;
	s6 =	sshra.s32 s10, $0x2;
	s10 =	sadd.s32 $0x200, s10  }
0x22: {  	[tilespmem:s6+$0x29F0] =	vst v0  }
0x23: {  	[tilespmem:s6+$0x2980] =	vst v0  }
0x24: {  	[tilespmem:s6+$0x2990] =	vst v0  }
0x25: {  	[tilespmem:s6+$0x29A0] =	vst v0  }
0x26: {  	[tilespmem:s6+$0x29B0] =	vst v0  }
0x27: {  	[tilespmem:s6+$0x29C0] =	vst v0  }
0x28: {  	[tilespmem:s6+$0x29D0] =	vst v0  }
0x29: {  	[tilespmem:s6+$0x29E0] =	vst v0  }
0x2a: {  	[spmem:s9] =	stream.linear.scatter [tilespmem:s24], [sflag:$0x2], $0x4000, $0x38;
	[tilespmem:$0x1A980] =	vst v63  }
0x2b: {  	_ =	swait.ge [sflag:s25], $0x4000  }
0x2c: {  	[sflag:s25] =	ssyncset.done $0x0  }
0x2d: {  	s11 =	rddreg [dreg:$0x8];
	[sflag:s25] =	ssyncadd.s32 $0xFFFFC000  }
0x2e: {  	[spmem:s11] =	stream.linear.scatter [tilespmem:s24], [sflag:$0x2], $0x4000, $0x38;
	[tilespmem:$0x1A980] =	vst v63  }
0x2f: {  	_ =	swait.ge [sflag:s25], $0x4000  }
0x30: {  	[sflag:s25] =	ssyncset.done $0x0  }
0x31: {  	s12 =	rddreg [dreg:$0x9];
	[sflag:s25] =	ssyncadd.s32 $0xFFFFC000  }
0x32: {  	[spmem:s12] =	stream.linear.scatter [tilespmem:s24], [sflag:$0x2], $0x4000, $0x38;
	[tilespmem:$0x1A980] =	vst v63  }
0x33: {  	_ =	swait.ge [sflag:s25], $0x4000  }
0x34: {  	[sflag:s25] =	ssyncset.done $0x0  }
0x35: {  	[sflag:s25] =	ssyncadd.s32 $0xFFFFC000  }
0x36: {  	[spmem:s13] =	stream.linear.scatter [tilespmem:s24], [sflag:$0x2], $0x4000, $0x38;
	[tilespmem:$0x1A980] =	vst v63  }
0x37: {  	_ =	swait.ge [sflag:s25], $0x4000  }
0x38: {  	[sflag:s25] =	ssyncset.done $0x0  }
0x39: {  	[sflag:s25] =	ssyncadd.s32 $0xFFFFC000  }
0x3a: {  	[spmem:s14] =	stream.linear.scatter [tilespmem:s24], [sflag:$0x2], $0x4000, $0x38;
	[tilespmem:$0x1A980] =	vst v63  }
0x3b: {  	_ =	swait.ge [sflag:s25], $0x4000  }
0x3c: {  	[sflag:s25] =	ssyncset.done $0x0  }
0x3d: {  	[sflag:s25] =	ssyncadd.s32 $0xFFFFC000  }
0x3e: {  	s6 =	simm.s32 $0x0;
	s10 =	simm.s32 $0x0;
	[bflag:$0x0] =	sbarrier.arrive $0xFFFF  }
.LBB2_4:
0x3f: {  	s11 =	smul.u32 $0x50, s10;
	_ =	sdelay $0x1  }
0x40: {  	s11 =	sadd.s32 s8, s11  }
0x41: {  	s11 =	sshrl.u32 s11, $0x3  }
0x42: {  	s12 =	sadd.s32 s2, s11  }
0x43: {  	[tilespmem:s6], [sflag:$0x2] =	stream.linear.gather [hbm4b:s12+s6], $0x50, $0x38;
	[tilespmem:$0x1A980] =	vst v63  }
0x44: {  	_ =	swait.ge [sflag:s25], $0x50  }
0x45: {  	[sflag:s25] =	ssyncset.done $0x0  }
0x46: {  	s12 =	sadd.s32 s0, s11;
	[sflag:s25] =	ssyncadd.s32 $0xFFFFFFB0  }
0x47: {  	[tilespmem:s26], [sflag:$0x2] =	stream.linear.gather [hbm4b:s12+s6], $0x50, $0x38;
	[tilespmem:$0x1A980] =	vst v63  }
0x48: {  	_ =	swait.ge [sflag:s25], $0x50  }
0x49: {  	[sflag:s25] =	ssyncset.done $0x0  }
0x4a: {  	s11 =	sadd.s32 s3, s11;
	[sflag:s25] =	ssyncadd.s32 $0xFFFFFFB0  }
0x4b: {  	[tilespmem:s28], [sflag:$0x2] =	stream.linear.gather [hbm4b:s11+s6], $0x50, $0x38;
	[tilespmem:$0x1A980] =	vst v63  }
0x4c: {  	_ =	swait.ge [sflag:s25], $0x50  }
0x4d: {  	[sflag:s25] =	ssyncset.done $0x0  }
0x4e: {  	[sflag:s25] =	ssyncadd.s32 $0xFFFFFFB0  }
0x4f: {  	[tilespmem:s30], [sflag:$0x1] =	stream.indirect.gather [hbm4b:s4+s29], $0x80, s6, s29, $0xb8;
	[tilespmem:$0x1A980] =	vst v63  }
0x50: {  	_ =	swait.ge [sflag:s31], $0x2800  }
0x51: {  	[sflag:s31] =	ssyncset.done $0x0  }
0x52: {  	s11 =	simm.s32 $0x0;
	[sflag:s31] =	ssyncadd.s32 $0xFFFFD800  }
.LBB2_5:
0x53: {  	s12 =	sshll.u32 s11, $0x4  }
0x54: {  	s12 =	sand.u32 $0x3FFFFFF0, s12  }
0x55: {  	v17 =	vld [tilespmem:s12+$0x100];
	s12 =	sshll.u32 s11, $0xB  }
0x56: {  	s12 =	sand.u32 $0x3FFFF800, s12  }
0x57: {  	v18 =	vld [tilespmem:s12+$0x180]  }
0x58: {  	v19 =	vld [tilespmem:s12+$0x190]  }
0x59: {  	v20 =	vld [tilespmem:s12+$0x1A0]  }
0x5a: {  	v22 =	vld [tilespmem:s12+$0x1B0];
	v21 =	vperm.xlane v17, v1  }
0x5b: {  	v23 =	vld [tilespmem:s12+$0x1C0]  }
0x5c: {  	v24 =	vld [tilespmem:s12+$0x1D0];
	v18 =	vmul.f32 v18, v21  }
0x5d: {  	v25 =	vld [tilespmem:s12+$0x1E0];
	v19 =	vmul.f32 v19, v21  }
0x5e: {  	v38 =	vld [tilespmem:s12+$0x1F0];
	[tilespmem:s12+$0x180] =	vst v18;
	v18 =	vmul.f32 v20, v21  }
0x5f: {  	v39 =	vld [tilespmem:s12+$0x200];
	[tilespmem:s12+$0x190] =	vst v19;
	v19 =	vmul.f32 v22, v21  }
0x60: {  	v40 =	vld [tilespmem:s12+$0x210];
	[tilespmem:s12+$0x1A0] =	vst v18;
	v18 =	vmul.f32 v23, v21  }
0x61: {  	v41 =	vld [tilespmem:s12+$0x220];
	[tilespmem:s12+$0x1B0] =	vst v19;
	v19 =	vmul.f32 v24, v21  }
0x62: {  	v26 =	vld [tilespmem:s12+$0x230];
	v42 =	vperm.xlane v17, v2;
	[tilespmem:s12+$0x1C0] =	vst v18;
	v18 =	vmul.f32 v25, v21  }
0x63: {  	v43 =	vld [tilespmem:s12+$0x240];
	[tilespmem:s12+$0x1D0] =	vst v19;
	v19 =	vmul.f32 v38, v21  }
0x64: {  	v44 =	vld [tilespmem:s12+$0x250];
	[tilespmem:s12+$0x1E0] =	vst v18;
	v18 =	vmul.f32 v39, v42  }
0x65: {  	v45 =	vld [tilespmem:s12+$0x260];
	[tilespmem:s12+$0x1F0] =	vst v19;
	v19 =	vmul.f32 v40, v42  }
0x66: {  	v46 =	vld [tilespmem:s12+$0x270];
	[tilespmem:s12+$0x200] =	vst v18;
	v18 =	vmul.f32 v41, v42  }
0x67: {  	v47 =	vld [tilespmem:s12+$0x280];
	[tilespmem:s12+$0x210] =	vst v19;
	v19 =	vmul.f32 v26, v42  }
0x68: {  	v48 =	vld [tilespmem:s12+$0x290];
	[tilespmem:s12+$0x220] =	vst v18;
	v18 =	vmul.f32 v43, v42  }
0x69: {  	v49 =	vld [tilespmem:s12+$0x2A0];
	[tilespmem:s12+$0x230] =	vst v19;
	v19 =	vmul.f32 v44, v42  }
0x6a: {  	v51 =	vld [tilespmem:s12+$0x2B0];
	v50 =	vperm.xlane v17, v3;
	[tilespmem:s12+$0x240] =	vst v18;
	v18 =	vmul.f32 v45, v42  }
0x6b: {  	v52 =	vld [tilespmem:s12+$0x2C0];
	[tilespmem:s12+$0x250] =	vst v19;
	v19 =	vmul.f32 v46, v42  }
0x6c: {  	v53 =	vld [tilespmem:s12+$0x2D0];
	[tilespmem:s12+$0x260] =	vst v18;
	v18 =	vmul.f32 v47, v50  }
0x6d: {  	v54 =	vld [tilespmem:s12+$0x2E0];
	[tilespmem:s12+$0x270] =	vst v19;
	v19 =	vmul.f32 v48, v50  }
0x6e: {  	v55 =	vld [tilespmem:s12+$0x2F0];
	[tilespmem:s12+$0x280] =	vst v18;
	v18 =	vmul.f32 v49, v50  }
0x6f: {  	v56 =	vld [tilespmem:s12+$0x300];
	[tilespmem:s12+$0x290] =	vst v19;
	v19 =	vmul.f32 v51, v50  }
0x70: {  	v57 =	vld [tilespmem:s12+$0x310];
	[tilespmem:s12+$0x2A0] =	vst v18;
	v18 =	vmul.f32 v52, v50  }
0x71: {  	v58 =	vld [tilespmem:s12+$0x320];
	[tilespmem:s12+$0x2B0] =	vst v19;
	v19 =	vmul.f32 v53, v50  }
0x72: {  	v60 =	vld [tilespmem:s12+$0x330];
	v59 =	vperm.xlane v17, v4;
	[tilespmem:s12+$0x2C0] =	vst v18;
	v18 =	vmul.f32 v54, v50  }
0x73: {  	v61 =	vld [tilespmem:s12+$0x340];
	[tilespmem:s12+$0x2D0] =	vst v19;
	v19 =	vmul.f32 v55, v50  }
0x74: {  	v62 =	vld [tilespmem:s12+$0x350];
	[tilespmem:s12+$0x2E0] =	vst v18;
	v18 =	vmul.f32 v56, v59  }
0x75: {  	v63 =	vld [tilespmem:s12+$0x360];
	[tilespmem:s12+$0x2F0] =	vst v19;
	v19 =	vmul.f32 v57, v59  }
0x76: {  	v28 =	vld [tilespmem:s12+$0x370];
	[tilespmem:s12+$0x300] =	vst v18;
	v18 =	vmul.f32 v58, v59  }
0x77: {  	v29 =	vld [tilespmem:s12+$0x380];
	[tilespmem:s12+$0x310] =	vst v19;
	v19 =	vmul.f32 v60, v59  }
0x78: {  	v30 =	vld [tilespmem:s12+$0x390];
	[tilespmem:s12+$0x320] =	vst v18;
	v18 =	vmul.f32 v61, v59  }
0x79: {  	v31 =	vld [tilespmem:s12+$0x3A0];
	[tilespmem:s12+$0x330] =	vst v19;
	v19 =	vmul.f32 v62, v59  }
0x7a: {  	v33 =	vld [tilespmem:s12+$0x3B0];
	v32 =	vperm.xlane v17, v5;
	[tilespmem:s12+$0x340] =	vst v18;
	v18 =	vmul.f32 v63, v59  }
0x7b: {  	v34 =	vld [tilespmem:s12+$0x3C0];
	[tilespmem:s12+$0x350] =	vst v19;
	v19 =	vmul.f32 v28, v59  }
0x7c: {  	v35 =	vld [tilespmem:s12+$0x3D0];
	[tilespmem:s12+$0x360] =	vst v18;
	v18 =	vmul.f32 v29, v32  }
0x7d: {  	v36 =	vld [tilespmem:s12+$0x3E0];
	[tilespmem:s12+$0x370] =	vst v19;
	v19 =	vmul.f32 v30, v32  }
0x7e: {  	v37 =	vld [tilespmem:s12+$0x3F0];
	[tilespmem:s12+$0x380] =	vst v18;
	v18 =	vmul.f32 v31, v32  }
0x7f: {  	v38 =	vld [tilespmem:s12+$0x400];
	[tilespmem:s12+$0x390] =	vst v19;
	v19 =	vmul.f32 v33, v32  }
0x80: {  	v39 =	vld [tilespmem:s12+$0x410];
	[tilespmem:s12+$0x3A0] =	vst v18;
	v18 =	vmul.f32 v34, v32  }
0x81: {  	v40 =	vld [tilespmem:s12+$0x420];
	[tilespmem:s12+$0x3B0] =	vst v19;
	v19 =	vmul.f32 v35, v32  }
0x82: {  	v41 =	vperm.xlane v17, v6;
	v42 =	vld [tilespmem:s12+$0x430];
	[tilespmem:s12+$0x3C0] =	vst v18;
	v18 =	vmul.f32 v36, v32  }
0x83: {  	v43 =	vld [tilespmem:s12+$0x440];
	[tilespmem:s12+$0x3D0] =	vst v19;
	v19 =	vmul.f32 v37, v32  }
0x84: {  	v44 =	vld [tilespmem:s12+$0x450];
	[tilespmem:s12+$0x3E0] =	vst v18;
	v18 =	vmul.f32 v38, v41  }
0x85: {  	v45 =	vld [tilespmem:s12+$0x460];
	[tilespmem:s12+$0x3F0] =	vst v19;
	v19 =	vmul.f32 v39, v41  }
0x86: {  	v46 =	vld [tilespmem:s12+$0x470];
	[tilespmem:s12+$0x400] =	vst v18;
	v18 =	vmul.f32 v40, v41  }
0x87: {  	v47 =	vld [tilespmem:s12+$0x480];
	[tilespmem:s12+$0x410] =	vst v19;
	v19 =	vmul.f32 v42, v41  }
0x88: {  	v48 =	vld [tilespmem:s12+$0x490];
	[tilespmem:s12+$0x420] =	vst v18;
	v18 =	vmul.f32 v43, v41  }
0x89: {  	v49 =	vld [tilespmem:s12+$0x4A0];
	[tilespmem:s12+$0x430] =	vst v19;
	v19 =	vmul.f32 v44, v41  }
0x8a: {  	v51 =	vld [tilespmem:s12+$0x4B0];
	v50 =	vperm.xlane v17, v7;
	[tilespmem:s12+$0x440] =	vst v18;
	v18 =	vmul.f32 v45, v41  }
0x8b: {  	v52 =	vld [tilespmem:s12+$0x4C0];
	[tilespmem:s12+$0x450] =	vst v19;
	v19 =	vmul.f32 v46, v41  }
0x8c: {  	v53 =	vld [tilespmem:s12+$0x4D0];
	[tilespmem:s12+$0x460] =	vst v18;
	v18 =	vmul.f32 v47, v50  }
0x8d: {  	v54 =	vld [tilespmem:s12+$0x4E0];
	[tilespmem:s12+$0x470] =	vst v19;
	v19 =	vmul.f32 v48, v50  }
0x8e: {  	v55 =	vld [tilespmem:s12+$0x4F0];
	[tilespmem:s12+$0x480] =	vst v18;
	v18 =	vmul.f32 v49, v50  }
0x8f: {  	v56 =	vld [tilespmem:s12+$0x500];
	[tilespmem:s12+$0x490] =	vst v19;
	v19 =	vmul.f32 v51, v50  }
0x90: {  	v57 =	vld [tilespmem:s12+$0x510];
	[tilespmem:s12+$0x4A0] =	vst v18;
	v18 =	vmul.f32 v52, v50  }
0x91: {  	v58 =	vld [tilespmem:s12+$0x520];
	[tilespmem:s12+$0x4B0] =	vst v19;
	v19 =	vmul.f32 v53, v50  }
0x92: {  	v60 =	vld [tilespmem:s12+$0x530];
	v59 =	vperm.xlane v17, v8;
	[tilespmem:s12+$0x4C0] =	vst v18;
	v18 =	vmul.f32 v54, v50  }
0x93: {  	v61 =	vld [tilespmem:s12+$0x540];
	[tilespmem:s12+$0x4D0] =	vst v19;
	v19 =	vmul.f32 v55, v50  }
0x94: {  	v62 =	vld [tilespmem:s12+$0x550];
	[tilespmem:s12+$0x4E0] =	vst v18;
	v18 =	vmul.f32 v56, v59  }
0x95: {  	v63 =	vld [tilespmem:s12+$0x560];
	[tilespmem:s12+$0x4F0] =	vst v19;
	v19 =	vmul.f32 v57, v59  }
0x96: {  	v28 =	vld [tilespmem:s12+$0x570];
	[tilespmem:s12+$0x500] =	vst v18;
	v18 =	vmul.f32 v58, v59  }
0x97: {  	v29 =	vld [tilespmem:s12+$0x580];
	[tilespmem:s12+$0x510] =	vst v19;
	v19 =	vmul.f32 v60, v59  }
0x98: {  	v30 =	vld [tilespmem:s12+$0x590];
	[tilespmem:s12+$0x520] =	vst v18;
	v18 =	vmul.f32 v61, v59  }
0x99: {  	v31 =	vld [tilespmem:s12+$0x5A0];
	[tilespmem:s12+$0x530] =	vst v19;
	v19 =	vmul.f32 v62, v59  }
0x9a: {  	v33 =	vld [tilespmem:s12+$0x5B0];
	v32 =	vperm.xlane v17, v9;
	[tilespmem:s12+$0x540] =	vst v18;
	v18 =	vmul.f32 v63, v59  }
0x9b: {  	v34 =	vld [tilespmem:s12+$0x5C0];
	[tilespmem:s12+$0x550] =	vst v19;
	v19 =	vmul.f32 v28, v59  }
0x9c: {  	v35 =	vld [tilespmem:s12+$0x5D0];
	[tilespmem:s12+$0x560] =	vst v18;
	v18 =	vmul.f32 v29, v32  }
0x9d: {  	v36 =	vld [tilespmem:s12+$0x5E0];
	[tilespmem:s12+$0x570] =	vst v19;
	v19 =	vmul.f32 v30, v32  }
0x9e: {  	v37 =	vld [tilespmem:s12+$0x5F0];
	[tilespmem:s12+$0x580] =	vst v18;
	v18 =	vmul.f32 v31, v32  }
0x9f: {  	v38 =	vld [tilespmem:s12+$0x600];
	[tilespmem:s12+$0x590] =	vst v19;
	v19 =	vmul.f32 v33, v32  }
0xa0: {  	v39 =	vld [tilespmem:s12+$0x610];
	[tilespmem:s12+$0x5A0] =	vst v18;
	v18 =	vmul.f32 v34, v32  }
0xa1: {  	v40 =	vld [tilespmem:s12+$0x620];
	[tilespmem:s12+$0x5B0] =	vst v19;
	v19 =	vmul.f32 v35, v32  }
0xa2: {  	v42 =	vld [tilespmem:s12+$0x630];
	v41 =	vperm.xlane v17, v10;
	[tilespmem:s12+$0x5C0] =	vst v18;
	v18 =	vmul.f32 v36, v32  }
0xa3: {  	v43 =	vld [tilespmem:s12+$0x640];
	[tilespmem:s12+$0x5D0] =	vst v19;
	v19 =	vmul.f32 v37, v32  }
0xa4: {  	v44 =	vld [tilespmem:s12+$0x650];
	[tilespmem:s12+$0x5E0] =	vst v18;
	v18 =	vmul.f32 v38, v41  }
0xa5: {  	v45 =	vld [tilespmem:s12+$0x660];
	[tilespmem:s12+$0x5F0] =	vst v19;
	v19 =	vmul.f32 v39, v41  }
0xa6: {  	v46 =	vld [tilespmem:s12+$0x670];
	[tilespmem:s12+$0x600] =	vst v18;
	v18 =	vmul.f32 v40, v41  }
0xa7: {  	v47 =	vld [tilespmem:s12+$0x680];
	[tilespmem:s12+$0x610] =	vst v19;
	v19 =	vmul.f32 v42, v41  }
0xa8: {  	v48 =	vld [tilespmem:s12+$0x690];
	[tilespmem:s12+$0x620] =	vst v18;
	v18 =	vmul.f32 v43, v41  }
0xa9: {  	v49 =	vld [tilespmem:s12+$0x6A0];
	[tilespmem:s12+$0x630] =	vst v19;
	v19 =	vmul.f32 v44, v41  }
0xaa: {  	v51 =	vld [tilespmem:s12+$0x6B0];
	v50 =	vperm.xlane v17, v11;
	[tilespmem:s12+$0x640] =	vst v18;
	v18 =	vmul.f32 v45, v41  }
0xab: {  	v52 =	vld [tilespmem:s12+$0x6C0];
	[tilespmem:s12+$0x650] =	vst v19;
	v19 =	vmul.f32 v46, v41  }
0xac: {  	v53 =	vld [tilespmem:s12+$0x6D0];
	[tilespmem:s12+$0x660] =	vst v18;
	v18 =	vmul.f32 v47, v50  }
0xad: {  	v54 =	vld [tilespmem:s12+$0x6E0];
	[tilespmem:s12+$0x670] =	vst v19;
	v19 =	vmul.f32 v48, v50  }
0xae: {  	v55 =	vld [tilespmem:s12+$0x6F0];
	[tilespmem:s12+$0x680] =	vst v18;
	v18 =	vmul.f32 v49, v50  }
0xaf: {  	v56 =	vld [tilespmem:s12+$0x700];
	[tilespmem:s12+$0x690] =	vst v19;
	v19 =	vmul.f32 v51, v50  }
0xb0: {  	v57 =	vld [tilespmem:s12+$0x710];
	[tilespmem:s12+$0x6A0] =	vst v18;
	v18 =	vmul.f32 v52, v50  }
0xb1: {  	v58 =	vld [tilespmem:s12+$0x720];
	[tilespmem:s12+$0x6B0] =	vst v19;
	v19 =	vmul.f32 v53, v50  }
0xb2: {  	v60 =	vld [tilespmem:s12+$0x730];
	v59 =	vperm.xlane v17, v12;
	[tilespmem:s12+$0x6C0] =	vst v18;
	v18 =	vmul.f32 v54, v50  }
0xb3: {  	v61 =	vld [tilespmem:s12+$0x740];
	[tilespmem:s12+$0x6D0] =	vst v19;
	v19 =	vmul.f32 v55, v50  }
0xb4: {  	v62 =	vld [tilespmem:s12+$0x750];
	[tilespmem:s12+$0x6E0] =	vst v18;
	v18 =	vmul.f32 v56, v59  }
0xb5: {  	v63 =	vld [tilespmem:s12+$0x760];
	[tilespmem:s12+$0x6F0] =	vst v19;
	v19 =	vmul.f32 v57, v59  }
0xb6: {  	v28 =	vld [tilespmem:s12+$0x770];
	[tilespmem:s12+$0x700] =	vst v18;
	v18 =	vmul.f32 v58, v59  }
0xb7: {  	v29 =	vld [tilespmem:s12+$0x780];
	[tilespmem:s12+$0x710] =	vst v19;
	v19 =	vmul.f32 v60, v59  }
0xb8: {  	v30 =	vld [tilespmem:s12+$0x790];
	[tilespmem:s12+$0x720] =	vst v18;
	v18 =	vmul.f32 v61, v59  }
0xb9: {  	v31 =	vld [tilespmem:s12+$0x7A0];
	[tilespmem:s12+$0x730] =	vst v19;
	v19 =	vmul.f32 v62, v59  }
0xba: {  	v33 =	vld [tilespmem:s12+$0x7B0];
	v32 =	vperm.xlane v17, v13;
	[tilespmem:s12+$0x740] =	vst v18;
	v18 =	vmul.f32 v63, v59  }
0xbb: {  	v34 =	vld [tilespmem:s12+$0x7C0];
	[tilespmem:s12+$0x750] =	vst v19;
	v19 =	vmul.f32 v28, v59  }
0xbc: {  	v35 =	vld [tilespmem:s12+$0x7D0];
	[tilespmem:s12+$0x760] =	vst v18;
	v18 =	vmul.f32 v29, v32  }
0xbd: {  	v36 =	vld [tilespmem:s12+$0x7E0];
	[tilespmem:s12+$0x770] =	vst v19;
	v19 =	vmul.f32 v30, v32  }
0xbe: {  	v37 =	vld [tilespmem:s12+$0x7F0];
	[tilespmem:s12+$0x780] =	vst v18;
	v18 =	vmul.f32 v31, v32  }
0xbf: {  	v38 =	vld [tilespmem:s12+$0x800];
	[tilespmem:s12+$0x790] =	vst v19;
	v19 =	vmul.f32 v33, v32  }
0xc0: {  	v39 =	vld [tilespmem:s12+$0x810];
	[tilespmem:s12+$0x7A0] =	vst v18;
	v18 =	vmul.f32 v34, v32  }
0xc1: {  	v40 =	vld [tilespmem:s12+$0x820];
	[tilespmem:s12+$0x7B0] =	vst v19;
	v19 =	vmul.f32 v35, v32  }
0xc2: {  	v42 =	vld [tilespmem:s12+$0x830];
	v41 =	vperm.xlane v17, v14;
	[tilespmem:s12+$0x7C0] =	vst v18;
	v18 =	vmul.f32 v36, v32  }
0xc3: {  	v43 =	vld [tilespmem:s12+$0x840];
	[tilespmem:s12+$0x7D0] =	vst v19;
	v19 =	vmul.f32 v37, v32  }
0xc4: {  	v44 =	vld [tilespmem:s12+$0x850];
	[tilespmem:s12+$0x7E0] =	vst v18;
	v18 =	vmul.f32 v38, v41  }
0xc5: {  	v45 =	vld [tilespmem:s12+$0x860];
	[tilespmem:s12+$0x7F0] =	vst v19;
	v19 =	vmul.f32 v39, v41  }
0xc6: {  	v46 =	vld [tilespmem:s12+$0x870];
	[tilespmem:s12+$0x800] =	vst v18;
	v18 =	vmul.f32 v40, v41  }
0xc7: {  	v47 =	vld [tilespmem:s12+$0x880];
	[tilespmem:s12+$0x810] =	vst v19;
	v19 =	vmul.f32 v42, v41  }
0xc8: {  	v48 =	vld [tilespmem:s12+$0x890];
	[tilespmem:s12+$0x820] =	vst v18;
	v18 =	vmul.f32 v43, v41  }
0xc9: {  	v49 =	vld [tilespmem:s12+$0x8A0];
	[tilespmem:s12+$0x830] =	vst v19;
	v19 =	vmul.f32 v44, v41  }
0xca: {  	v51 =	vld [tilespmem:s12+$0x8B0];
	v50 =	vperm.xlane v17, v15;
	[tilespmem:s12+$0x840] =	vst v18;
	v18 =	vmul.f32 v45, v41  }
0xcb: {  	v52 =	vld [tilespmem:s12+$0x8C0];
	[tilespmem:s12+$0x850] =	vst v19;
	v19 =	vmul.f32 v46, v41  }
0xcc: {  	v53 =	vld [tilespmem:s12+$0x8D0];
	[tilespmem:s12+$0x860] =	vst v18;
	v18 =	vmul.f32 v47, v50  }
0xcd: {  	v54 =	vld [tilespmem:s12+$0x8E0];
	[tilespmem:s12+$0x870] =	vst v19;
	v19 =	vmul.f32 v48, v50  }
0xce: {  	v55 =	vld [tilespmem:s12+$0x8F0];
	[tilespmem:s12+$0x880] =	vst v18;
	v18 =	vmul.f32 v49, v50  }
0xcf: {  	v56 =	vld [tilespmem:s12+$0x900];
	[tilespmem:s12+$0x890] =	vst v19;
	v19 =	vmul.f32 v51, v50  }
0xd0: {  	v57 =	vld [tilespmem:s12+$0x910];
	[tilespmem:s12+$0x8A0] =	vst v18;
	v18 =	vmul.f32 v52, v50  }
0xd1: {  	v58 =	vld [tilespmem:s12+$0x920];
	[tilespmem:s12+$0x8B0] =	vst v19;
	v19 =	vmul.f32 v53, v50  }
0xd2: {  	v17 =	vperm.xlane v17, v16;
	v59 =	vld [tilespmem:s12+$0x930];
	[tilespmem:s12+$0x8C0] =	vst v18;
	v18 =	vmul.f32 v54, v50  }
0xd3: {  	v60 =	vld [tilespmem:s12+$0x940];
	[tilespmem:s12+$0x8D0] =	vst v19;
	v19 =	vmul.f32 v55, v50  }
0xd4: {  	v61 =	vld [tilespmem:s12+$0x950];
	[tilespmem:s12+$0x8E0] =	vst v18;
	v18 =	vmul.f32 v56, v17  }
0xd5: {  	v62 =	vld [tilespmem:s12+$0x960];
	[tilespmem:s12+$0x8F0] =	vst v19;
	v19 =	vmul.f32 v57, v17  }
0xd6: {  	v63 =	vld [tilespmem:s12+$0x970];
	[tilespmem:s12+$0x900] =	vst v18;
	v18 =	vmul.f32 v58, v17  }
0xd7: {  	[tilespmem:s12+$0x910] =	vst v19;
	v19 =	vmul.f32 v59, v17  }
0xd8: {  	p0 =	sne.s32 s11, $0x4;
	[tilespmem:s12+$0x920] =	vst v18;
	v18 =	vmul.f32 v60, v17  }
.Ltmp1:
0xd9: {  	[tilespmem:s12+$0x930] =	vst v19;
	v19 =	vmul.f32 v61, v17;
	(pc) =	sbr.rel @p0 .LBB2_5-.Ltmp1, $4  }
0xda: {  	[tilespmem:s12+$0x940] =	vst v18;
	v18 =	vmul.f32 v62, v17  }
0xdb: {  	[tilespmem:s12+$0x950] =	vst v19;
	v17 =	vmul.f32 v63, v17  }
0xdc: {  	[tilespmem:s12+$0x960] =	vst v18  }
0xdd: {  	s11 =	sadd.s32 $0x1, s11;
	[tilespmem:s12+$0x970] =	vst v17  }
0xde: {  	s10 =	sadd.s32 $0x1, s10  }
0xdf: {  	p0 =	sne.s32 s10, $0x7D  }
.Ltmp2:
0xe0: {  	_ = 	snop;
	(pc) =	sbr.rel @p0 .LBB2_4-.Ltmp2, $4  }
0xe1: {  	[spmem:s5] =	stream.indirect.scatter.add.f32 [tilespmem:s30], [sflag:$0x2], $0x80, s26, s29, $0xb8;
	[tilespmem:$0x1A980] =	vst v63  }
0xe2: {  	_ =	swait.ge [sflag:s25], $0x2800  }
0xe3: {  	[sflag:s25] =	ssyncset.done $0x0  }
0xe4: {  	[sflag:s25] =	ssyncadd.s32 $0xFFFFD800  }
0xe5: {  	[bflag:$0x0] =	sbarrier.arrive $0xFFFF  }
0xe6: {  	[tilespmem:s24], [sflag:$0x2] =	stream.linear.gather [spmem:s9], $0x4000, $0x38;
	[tilespmem:$0x1A980] =	vst v63  }
0xe7: {  	_ =	swait.ge [sflag:s25], $0x4000  }
0xe8: {  	[sflag:s25] =	ssyncset.done $0x0  }
0xe9: {  	[sflag:s25] =	ssyncadd.s32 $0xFFFFC000  }
0xea: {  	[hbm4b:s15+s7] =	stream.linear.scatter [tilespmem:s24], [sflag:$0x2], $0x4000, $0x38;
	[tilespmem:$0x1A980] =	vst v63  }
0xeb: {  	_ =	swait.ge [sflag:s25], $0x4000  }
0xec: {  	[sflag:s25] =	ssyncset.done $0x0  }
0xed: {  	[sflag:s25] =	ssyncadd.s32 $0xFFFFC000  }
0xee: {  	[tilespmem:s24], [sflag:$0x2] =	stream.linear.gather [spmem:s16], $0x4000, $0x38;
	[tilespmem:$0x1A980] =	vst v63  }
0xef: {  	_ =	swait.ge [sflag:s25], $0x4000  }
0xf0: {  	[sflag:s25] =	ssyncset.done $0x0  }
0xf1: {  	[sflag:s25] =	ssyncadd.s32 $0xFFFFC000  }
0xf2: {  	[hbm4b:s17+s7] =	stream.linear.scatter [tilespmem:s24], [sflag:$0x2], $0x4000, $0x38;
	[tilespmem:$0x1A980] =	vst v63  }
0xf3: {  	_ =	swait.ge [sflag:s25], $0x4000  }
0xf4: {  	[sflag:s25] =	ssyncset.done $0x0  }
0xf5: {  	[sflag:s25] =	ssyncadd.s32 $0xFFFFC000  }
0xf6: {  	[tilespmem:s24], [sflag:$0x2] =	stream.linear.gather [spmem:s18], $0x4000, $0x38;
	[tilespmem:$0x1A980] =	vst v63  }
0xf7: {  	_ =	swait.ge [sflag:s25], $0x4000  }
0xf8: {  	[sflag:s25] =	ssyncset.done $0x0  }
0xf9: {  	[sflag:s25] =	ssyncadd.s32 $0xFFFFC000  }
0xfa: {  	[hbm4b:s19+s7] =	stream.linear.scatter [tilespmem:s24], [sflag:$0x2], $0x4000, $0x38;
	[tilespmem:$0x1A980] =	vst v63  }
0xfb: {  	_ =	swait.ge [sflag:s25], $0x4000  }
0xfc: {  	[sflag:s25] =	ssyncset.done $0x0  }
0xfd: {  	[sflag:s25] =	ssyncadd.s32 $0xFFFFC000  }
0xfe: {  	[tilespmem:s24], [sflag:$0x2] =	stream.linear.gather [spmem:s20], $0x4000, $0x38;
	[tilespmem:$0x1A980] =	vst v63  }
0xff: {  	_ =	swait.ge [sflag:s25], $0x4000  }
0x100: {  	[sflag:s25] =	ssyncset.done $0x0  }
0x101: {  	[sflag:s25] =	ssyncadd.s32 $0xFFFFC000  }
0x102: {  	[hbm4b:s21+s7] =	stream.linear.scatter [tilespmem:s24], [sflag:$0x2], $0x4000, $0x38;
	[tilespmem:$0x1A980] =	vst v63  }
0x103: {  	_ =	swait.ge [sflag:s25], $0x4000  }
0x104: {  	[sflag:s25] =	ssyncset.done $0x0  }
0x105: {  	[sflag:s25] =	ssyncadd.s32 $0xFFFFC000  }
0x106: {  	[tilespmem:s24], [sflag:$0x2] =	stream.linear.gather [spmem:s22], $0x4000, $0x38;
	[tilespmem:$0x1A980] =	vst v63  }
0x107: {  	_ =	swait.ge [sflag:s25], $0x4000  }
0x108: {  	[sflag:s25] =	ssyncset.done $0x0  }
0x109: {  	[sflag:s25] =	ssyncadd.s32 $0xFFFFC000  }
0x10a: {  	[hbm4b:s23+s7] =	stream.linear.scatter [tilespmem:s24], [sflag:$0x2], $0x4000, $0x38;
	[tilespmem:$0x1A980] =	vst v63  }
0x10b: {  	_ =	swait.ge [sflag:s25], $0x4000  }
0x10c: {  	s1 =	sadd.s32 $0x1, s1;
	s6 =	rddreg [dreg:$0x7]  }
0x10d: {  	p0 =	sne.s32 s1, s6  }
.Ltmp3:
0x10e: {  	_ = 	snop;
	(pc) =	sbr.rel @p0 .LBB2_1-.Ltmp3, $3  }
0x10f: {  	_ =	sdelay $0x1  }
0x110: {  	[sflag:s25] =	ssyncset.done $0x0  }
0x111: {  	[sflag:s25] =	ssyncadd.s32 $0xFFFFC000  }
0x112: {  	_ =	sfence.sel $0x180000  }
0x113: {  	[bflag:$0x0] =	sbarrier.arrive $0xFFFF  }
0x114: {  	_ =	strace $0x90000047  }
0x115: {  	s0 =	stileid.u32;
	[bflag:$0x2] =	sbarrier.arrive $0xFFFF  }
0x116: {  	p0 =	sne.s32 s0, $0x0;
	s0 =	rddreg [dreg:$0x6]  }
0x117: {  	s0 =	sadd.s32 @!p0 $0x100000, s0  }
0x118: {  	[sflag:s0] =	ssyncadd.tile.s32 @!p0 $0x1;
	_ =	shalt  }
.Lfunc_end2:
_tile_overlayer_lowered:
.L_overlay_start_2:
0x119: {  	(tag) =	ssettag $0x2  }
0x11a: {  	s0 =	rddreg [dreg:$0x0];
	s2 =	stileid.u32  }
0x11b: {  	s1 =	rddreg [dreg:$0x1];
	p0 =	sne.s32 s2, $0x0  }
0x11c: {  	s3 =	rddreg [dreg:$0x2];
	[bflag:$0x3] =	sbarrier.arrive $0xFFFF;
	s2 =	simm.s32 @!p0 $0x1C02  }
0x11d: {  	[timem:s3], [sflag:s2] =	dma.local @!p0 [hbm:s0], s1  }
0x11e: {  	s0 =	simm.s32 @!p0 $0x2  }
0x11f: {  	_ =	swait.ge @!p0 [sflag:s0], s1  }
0x120: {  	s1 =	ssub.s32 @!p0 $0x0, s1;
	[sflag:s0] =	ssyncset.done @!p0 $0x0  }
0x121: {  	[sflag:s0] =	ssyncadd.s32 @!p0 s1  }
0x122: {  	[bflag:$0x3] =	sbarrier.arrive $0xFFFF  }
0x123: {  	_ =	shalt  }

</sc_bundles>
